<compile_context>
chip_gen: v7x
topology: tpu7x:2x2x1
jax: 0.10.2.dev20260603
libtpu: 0.0.44.dev20260713+nightly
codegen_flags: <defaults>
</compile_context>

<pallas_src>
import functools

import jax
import jax.numpy as jnp
from jax import lax
from jax.experimental import pallas as pl
from jax.experimental.pallas import tpu as pltpu
from jax.experimental.pallas import tpu_sc as plsc

ITEMS = 100000
EMBED = 32
B = 8
SEG = 1024
NPOS = B * SEG

NC = 2
NS = 16
NW = NC * NS
PER_W = NPOS // NW
CHUNK = 128
NCH = PER_W // CHUNK

_SC_MESH = plsc.VectorSubcoreMesh(
    core_axis_name="c", subcore_axis_name="s", num_cores=NC, num_subcores=NS)
_SC_PARAMS = pltpu.CompilerParams(
    use_tc_tiling_on_sc=False, needs_layout_passes=False)


@functools.partial(
    pl.kernel,
    out_type=(
        jax.ShapeDtypeStruct((NPOS, EMBED), jnp.float32),
        jax.ShapeDtypeStruct((NPOS // CHUNK, CHUNK), jnp.float32),
    ),
    mesh=_SC_MESH,
    scratch_types=(
        pltpu.VMEM((NCH, CHUNK), jnp.int32),
        pltpu.VMEM((PER_W, EMBED), jnp.float32),
        pltpu.VMEM((NCH, CHUNK), jnp.float32),
        pltpu.VMEM((ITEMS,), jnp.float32),
        pltpu.SemaphoreType.DMA,
    ),
    compiler_params=_SC_PARAMS,
)
def _sc_gather(nodes2_hbm, table_hbm, alpha_hbm, trow_hbm, aval_hbm,
               idx_v, rows_v, a_v, alpha_v, sem):
    wid = lax.axis_index("s") * NC + lax.axis_index("c")
    base = wid * PER_W
    pltpu.sync_copy(nodes2_hbm.at[pl.ds(wid * NCH, NCH)], idx_v)
    alpha_cp = pltpu.async_copy(alpha_hbm, alpha_v, sem)
    copies = []
    for j in range(NCH):
        copies.append(pltpu.async_copy(
            table_hbm.at[idx_v.at[j]], rows_v.at[pl.ds(j * CHUNK, CHUNK)], sem))
    alpha_cp.wait()
    for j in range(NCH):
        for k in range(CHUNK // 16):
            sl = pl.ds(k * 16, 16)
            a_v[j, sl] = plsc.load_gather(alpha_v, [idx_v[j, sl]])
    for c in copies:
        c.wait()
    pltpu.sync_copy(rows_v, trow_hbm.at[pl.ds(base, PER_W)])
    pltpu.sync_copy(a_v, aval_hbm.at[pl.ds(wid * NCH, NCH)])


def _val_body(nodes_ref, feat_ref, trow_ref, a_ref, val_ref):
    seg = nodes_ref[0, 0, :]
    eq = (seg[:, None] == seg[None, :]).astype(jnp.float32)
    counts = jnp.sum(eq, axis=1)
    sums = jnp.dot(eq, feat_ref[0],
                   preferred_element_type=jnp.float32)
    mean = sums / counts[:, None]
    a = a_ref[0, 0, :][:, None]
    val_ref[0] = (1.0 - a) * trow_ref[0] + a * mean


def _tc_val(nodes3, feat3, trow3, a3):
    return pl.pallas_call(
        _val_body,
        grid=(B,),
        in_specs=[
            pl.BlockSpec((1, 1, SEG), lambda g: (g, 0, 0)),
            pl.BlockSpec((1, SEG, EMBED), lambda g: (g, 0, 0)),
            pl.BlockSpec((1, SEG, EMBED), lambda g: (g, 0, 0)),
            pl.BlockSpec((1, 1, SEG), lambda g: (g, 0, 0)),
        ],
        out_specs=pl.BlockSpec((1, SEG, EMBED), lambda g: (g, 0, 0)),
        out_shape=jax.ShapeDtypeStruct((B, SEG, EMBED), jnp.float32),
    )(nodes3, feat3, trow3, a3)


PROWS = ITEMS * EMBED // 128
BLK = 5000
RB = PROWS // BLK


def _prefill_body(table_ref, out_ref):
    out_ref[...] = table_ref[...]


def _tc_prefill(table128):
    return pl.pallas_call(
        _prefill_body,
        grid=(RB, B),
        in_specs=[pl.BlockSpec((BLK, 128), lambda rb, g: (rb, 0))],
        out_specs=pl.BlockSpec((BLK, 128), lambda rb, g: (g * RB + rb, 0)),
        out_shape=jax.ShapeDtypeStruct((B * PROWS, 128), jnp.float32),
    )(table128)


@functools.partial(
    pl.kernel,
    out_type=(),
    mesh=_SC_MESH,
    scratch_types=(
        pltpu.VMEM((NCH, CHUNK), jnp.int32),
        pltpu.VMEM((PER_W, EMBED), jnp.float32),
        pltpu.SemaphoreType.DMA,
    ),
    compiler_params=_SC_PARAMS,
)
def _sc_scatter(out_ref, nodes2_hbm, val_hbm, idx_v, val_v, sem):
    wid = lax.axis_index("s") * NC + lax.axis_index("c")
    base = wid * PER_W
    g = base // SEG
    pltpu.sync_copy(nodes2_hbm.at[pl.ds(wid * NCH, NCH)], idx_v)
    pltpu.sync_copy(val_hbm.at[pl.ds(base, PER_W)], val_v)
    off = g * ITEMS
    for j in range(NCH):
        for k in range(CHUNK // 16):
            sl = pl.ds(k * 16, 16)
            idx_v[j, sl] = idx_v[j, sl] + off
    copies = []
    for j in range(NCH):
        copies.append(pltpu.async_copy(
            val_v.at[pl.ds(j * CHUNK, CHUNK)], out_ref.at[idx_v.at[j]], sem))
    for c in copies:
        c.wait()


def kernel(nodes, nodes_output, ptr, table, alpha):
    del ptr
    nodes2 = nodes.reshape(NPOS // CHUNK, CHUNK)
    tflat = table.reshape(ITEMS * EMBED)
    trow, avalr = _sc_gather(nodes2, tflat.reshape(ITEMS, EMBED),
                             alpha.reshape(ITEMS))
    aval = avalr.reshape(NPOS, 1)

    nodes3 = nodes.reshape(B, 1, SEG)
    feat3 = nodes_output.reshape(B, SEG, EMBED)
    trow3 = trow.reshape(B, SEG, EMBED)
    a3 = aval.reshape(B, 1, SEG)
    val = _tc_val(nodes3, feat3, trow3, a3)

    prefilled = _tc_prefill(tflat.reshape(PROWS, 128))
    out_ref = jax.new_ref(prefilled.reshape(B * ITEMS, EMBED))
    _sc_scatter(out_ref, nodes2, val.reshape(NPOS, EMBED))
    return out_ref[...].reshape(B, ITEMS, EMBED)

# --- scband reference (transcript-rebuilt; emitter-appended) ---
"""Pipeline reference for scband-global-gated-update-26036091749094 (READ-ONLY COPY).

The authoritative reference and input builder live on the scoring server;
editing this copy changes nothing except your own understanding.
"""

import jax, jax.numpy as jnp
import numpy as np
from jax import lax

ITEMS_TOTAL = 100000
EMBED = 32
B = 8
SEG = 1024


def setup_inputs(seed: int = 0) -> dict:
    key = jax.random.key(seed)
    k1, k2, k3, k4 = jax.random.split(key, 4)
    nodes = jax.random.randint(k1, (B * SEG,), 0, ITEMS_TOTAL, dtype=jnp.int32)
    nodes_output = jax.random.normal(k2, (B * SEG, EMBED), dtype=jnp.float32)
    # learned params: embedding table (item_embedding.weight) and alpha gate
    table = jax.random.normal(k3, (ITEMS_TOTAL, EMBED), dtype=jnp.float32) * 0.02
    alpha = jax.random.uniform(k4, (ITEMS_TOTAL, 1), dtype=jnp.float32)
    # graph.ptr: cumulative node counts per graph (equal-sized segments of 1024)
    ptr = jnp.arange(B + 1, dtype=jnp.int32) * SEG
    return {"nodes": nodes, "nodes_output": nodes_output, "ptr": ptr, "table": table, "alpha": alpha}


def reference(nodes, nodes_output, ptr, table, alpha):
    # Faithful translation: per graph, average node features per unique item id,
    # then gated update of the full item embedding table.
    # torch.unique + index_add_ + bincount  ==  scatter-add sums and counts over items_total.
    num_graphs = ptr.shape[0] - 1
    seg_len = nodes.shape[0] // num_graphs
    outs = []
    for g in range(num_graphs):
        s = ptr[g]
        seg_nodes = lax.dynamic_slice(nodes, (s,), (seg_len,))
        seg_feat = lax.dynamic_slice_in_dim(nodes_output, s, seg_len, axis=0)
        sums = jnp.zeros((ITEMS_TOTAL, EMBED), dtype=seg_feat.dtype).at[seg_nodes].add(seg_feat)
        counts = jnp.zeros((ITEMS_TOTAL,), dtype=jnp.float32).at[seg_nodes].add(1.0)
        mean = sums / jnp.maximum(counts, 1.0)[:, None]
        beta = (counts > 0).astype(jnp.float32)[:, None]  # 1 for items present in this graph
        # embed = (1 - beta*alpha)*table ; present rows get + alpha*mean
        embed = (1.0 - beta * alpha) * table + beta * alpha * mean
        outs.append(embed)
    return jnp.stack(outs)  # (B, items_total, embed_dim)

if __name__ == "__main__":
    import jax
    _d = setup_inputs()
    print(jax.jit(kernel)(*tuple(_d.values())))

</pallas_src>

<mosaic_0001>
#map = affine_map<(d0, d1) -> (0, 0)>
module attributes {stable_mosaic.version = 14 : i64} {
  func.func @new_body(%arg0: i32, %arg1: i32, %arg2: memref<800000x32xf32, #tpu.memory_space<hbm>>, %arg3: memref<64x128xi32, #tpu.memory_space<hbm>>, %arg4: memref<8192x32xf32, #tpu.memory_space<hbm>>, %arg5: memref<800000x32xf32, #tpu.memory_space<hbm>>, %arg6: memref<2x128xi32, #tpu.memory_space<vmem>>, %arg7: memref<256x32xf32, #tpu.memory_space<vmem>>, %arg8: memref<!tpu.dma_semaphore, #tpu.memory_space<semaphore_mem>>) attributes {dimension_semantics = [#tpu.dimension_semantics<core_parallel>, #tpu.dimension_semantics<subcore_parallel>], iteration_bounds = array<i64: 2, 16>, scalar_prefetch = 0 : i64, scratch_operands = 3 : i64, tpu.core_type = #tpu.core_type<sc_vector_subcore>, window_params = [{transform_indices = #map}, {transform_indices = #map}, {transform_indices = #map}, {transform_indices = #map}]} {
    %mul3A = arith.constant 2 : i32
    %mul3A_0 = arith.muli %arg1, %mul3A : i32
    %add3A = arith.addi %mul3A_0, %arg0 : i32
    %mul3A_1 = arith.constant 256 : i32
    %mul3A_2 = arith.muli %add3A, %mul3A_1 : i32
    %jit3A = arith.constant 1024 : i32
    %div3A = arith.divsi %mul3A_2, %jit3A : i32
    %sign3A = arith.constant 0 : i32
    %sign3A_3 = arith.cmpi sgt, %mul3A_2, %sign3A : i32
    %sign3A_4 = arith.extui %sign3A_3 : i1 to i32
    %sign3A_5 = arith.constant 0 : i32
    %sign3A_6 = arith.cmpi slt, %mul3A_2, %sign3A_5 : i32
    %sign3A_7 = arith.extui %sign3A_6 : i1 to i32
    %sign3A_8 = arith.subi %sign3A_4, %sign3A_7 : i32
    %sign3A_9 = arith.constant 0 : i32
    %sign3A_10 = arith.cmpi sgt, %jit3A, %sign3A_9 : i32
    %sign3A_11 = arith.extui %sign3A_10 : i1 to i32
    %sign3A_12 = arith.constant 0 : i32
    %sign3A_13 = arith.cmpi slt, %jit3A, %sign3A_12 : i32
    %sign3A_14 = arith.extui %sign3A_13 : i1 to i32
    %sign3A_15 = arith.subi %sign3A_11, %sign3A_14 : i32
    %ne3A = arith.cmpi ne, %sign3A_8, %sign3A_15 : i32
    %rem3A = arith.remsi %mul3A_2, %jit3A : i32
    %ne3A_16 = arith.constant 0 : i32
    %ne3A_17 = arith.cmpi ne, %rem3A, %ne3A_16 : i32
    %and3A = arith.andi %ne3A, %ne3A_17 : i1
    %sub3A = arith.constant 1 : i32
    %sub3A_18 = arith.subi %div3A, %sub3A : i32
    %select_n3A = arith.select %and3A, %sub3A_18, %div3A : i32
    %mul3A_19 = arith.constant 2 : i32
    %mul3A_20 = arith.muli %add3A, %mul3A_19 : i32
    "tpu.region"() ({
      %run_scoped3A = tpu.sem_alloc : memref<!tpu.dma_semaphore, #tpu.memory_space<semaphore_mem>>
      %dma_start3A_219 = arith.constant 0 : i32
      %dma_start3A_220 = tpu.memref_slice %arg3[%mul3A_20, %dma_start3A_219] : memref<64x128xi32, #tpu.memory_space<hbm>> -> memref<2x128xi32, #tpu.memory_space<hbm>>
      %dma_start3A_221 = arith.constant 0 : i32
      %dma_start3A_222 = tpu.memref_slice %arg3[%mul3A_20, %dma_start3A_221] : memref<64x128xi32, #tpu.memory_space<hbm>> -> memref<2x128xi32, #tpu.memory_space<hbm>>
      tpu.enqueue_dma source(%dma_start3A_222 : memref<2x128xi32, #tpu.memory_space<hbm>>) target(%arg6 : memref<2x128xi32, #tpu.memory_space<vmem>>) target_semaphore(%run_scoped3A : memref<!tpu.dma_semaphore, #tpu.memory_space<semaphore_mem>>)
      %dma_wait3A_223 = arith.constant 0 : i32
      %dma_wait3A_224 = tpu.memref_slice %arg3[%mul3A_20, %dma_wait3A_223] : memref<64x128xi32, #tpu.memory_space<hbm>> -> memref<2x128xi32, #tpu.memory_space<hbm>>
      %dma_wait3A_225 = arith.constant 0 : i32
      %dma_wait3A_226 = tpu.memref_slice %arg3[%mul3A_20, %dma_wait3A_225] : memref<64x128xi32, #tpu.memory_space<hbm>> -> memref<2x128xi32, #tpu.memory_space<hbm>>
      tpu.wait_dma2 semaphore(%run_scoped3A : memref<!tpu.dma_semaphore, #tpu.memory_space<semaphore_mem>>) src(%dma_wait3A_226 : memref<2x128xi32, #tpu.memory_space<hbm>>) dst(%arg6 : memref<2x128xi32, #tpu.memory_space<vmem>>)
      tpu.yield
    }) : () -> ()
    "tpu.region"() ({
      %run_scoped3A = tpu.sem_alloc : memref<!tpu.dma_semaphore, #tpu.memory_space<semaphore_mem>>
      %dma_start3A_219 = arith.constant 0 : i32
      %dma_start3A_220 = tpu.memref_slice %arg4[%mul3A_2, %dma_start3A_219] : memref<8192x32xf32, #tpu.memory_space<hbm>> -> memref<256x32xf32, #tpu.memory_space<hbm>>
      %dma_start3A_221 = arith.constant 0 : i32
      %dma_start3A_222 = tpu.memref_slice %arg4[%mul3A_2, %dma_start3A_221] : memref<8192x32xf32, #tpu.memory_space<hbm>> -> memref<256x32xf32, #tpu.memory_space<hbm>>
      tpu.enqueue_dma source(%dma_start3A_222 : memref<256x32xf32, #tpu.memory_space<hbm>>) target(%arg7 : memref<256x32xf32, #tpu.memory_space<vmem>>) target_semaphore(%run_scoped3A : memref<!tpu.dma_semaphore, #tpu.memory_space<semaphore_mem>>)
      %dma_wait3A_223 = arith.constant 0 : i32
      %dma_wait3A_224 = tpu.memref_slice %arg4[%mul3A_2, %dma_wait3A_223] : memref<8192x32xf32, #tpu.memory_space<hbm>> -> memref<256x32xf32, #tpu.memory_space<hbm>>
      %dma_wait3A_225 = arith.constant 0 : i32
      %dma_wait3A_226 = tpu.memref_slice %arg4[%mul3A_2, %dma_wait3A_225] : memref<8192x32xf32, #tpu.memory_space<hbm>> -> memref<256x32xf32, #tpu.memory_space<hbm>>
      tpu.wait_dma2 semaphore(%run_scoped3A : memref<!tpu.dma_semaphore, #tpu.memory_space<semaphore_mem>>) src(%dma_wait3A_226 : memref<256x32xf32, #tpu.memory_space<hbm>>) dst(%arg7 : memref<256x32xf32, #tpu.memory_space<vmem>>)
      tpu.yield
    }) : () -> ()
    %mul3A_21 = arith.constant 100000 : i32
    %mul3A_22 = arith.muli %select_n3A, %mul3A_21 : i32
    %get3A = arith.constant 0 : i32
    %get3A_23 = arith.index_cast %get3A : i32 to index
    %get3A_24 = arith.constant 0 : index
    %get3A_25 = tpu.vector_load %arg6[%get3A_23, %get3A_24] {strides = array<i32>} : memref<2x128xi32, #tpu.memory_space<vmem>>, vector<16xi32>,
    %add3A_26 = vector.broadcast %mul3A_22 : i32 to vector<16xi32>
    %add3A_27 = arith.addi %get3A_25, %add3A_26 : vector<16xi32>
    %swap3A = arith.constant 0 : i32
    %swap3A_28 = arith.index_cast %swap3A : i32 to index
    %swap3A_29 = arith.constant 0 : index
    %swap3A_30 = tpu.vector_load %arg6[%swap3A_28, %swap3A_29] {strides = array<i32>} : memref<2x128xi32, #tpu.memory_space<vmem>>, vector<16xi32>,
    tpu.vector_store %arg6[%swap3A_28, %swap3A_29], %add3A_27 {strides = array<i32>} : memref<2x128xi32, #tpu.memory_space<vmem>>, vector<16xi32>,
    %get3A_31 = arith.constant 0 : i32
    %get3A_32 = arith.index_cast %get3A_31 : i32 to index
    %get3A_33 = arith.constant 16 : index
    %get3A_34 = tpu.vector_load %arg6[%get3A_32, %get3A_33] {strides = array<i32>} : memref<2x128xi32, #tpu.memory_space<vmem>>, vector<16xi32>,
    %add3A_35 = vector.broadcast %mul3A_22 : i32 to vector<16xi32>
    %add3A_36 = arith.addi %get3A_34, %add3A_35 : vector<16xi32>
    %swap3A_37 = arith.constant 0 : i32
    %swap3A_38 = arith.index_cast %swap3A_37 : i32 to index
    %swap3A_39 = arith.constant 16 : index
    %swap3A_40 = tpu.vector_load %arg6[%swap3A_38, %swap3A_39] {strides = array<i32>} : memref<2x128xi32, #tpu.memory_space<vmem>>, vector<16xi32>,
    tpu.vector_store %arg6[%swap3A_38, %swap3A_39], %add3A_36 {strides = array<i32>} : memref<2x128xi32, #tpu.memory_space<vmem>>, vector<16xi32>,
    %get3A_41 = arith.constant 0 : i32
    %get3A_42 = arith.index_cast %get3A_41 : i32 to index
    %get3A_43 = arith.constant 32 : index
    %get3A_44 = tpu.vector_load %arg6[%get3A_42, %get3A_43] {strides = array<i32>} : memref<2x128xi32, #tpu.memory_space<vmem>>, vector<16xi32>,
    %add3A_45 = vector.broadcast %mul3A_22 : i32 to vector<16xi32>
    %add3A_46 = arith.addi %get3A_44, %add3A_45 : vector<16xi32>
    %swap3A_47 = arith.constant 0 : i32
    %swap3A_48 = arith.index_cast %swap3A_47 : i32 to index
    %swap3A_49 = arith.constant 32 : index
    %swap3A_50 = tpu.vector_load %arg6[%swap3A_48, %swap3A_49] {strides = array<i32>} : memref<2x128xi32, #tpu.memory_space<vmem>>, vector<16xi32>,
    tpu.vector_store %arg6[%swap3A_48, %swap3A_49], %add3A_46 {strides = array<i32>} : memref<2x128xi32, #tpu.memory_space<vmem>>, vector<16xi32>,
    %get3A_51 = arith.constant 0 : i32
    %get3A_52 = arith.index_cast %get3A_51 : i32 to index
    %get3A_53 = arith.constant 48 : index
    %get3A_54 = tpu.vector_load %arg6[%get3A_52, %get3A_53] {strides = array<i32>} : memref<2x128xi32, #tpu.memory_space<vmem>>, vector<16xi32>,
    %add3A_55 = vector.broadcast %mul3A_22 : i32 to vector<16xi32>
    %add3A_56 = arith.addi %get3A_54, %add3A_55 : vector<16xi32>
    %swap3A_57 = arith.constant 0 : i32
    %swap3A_58 = arith.index_cast %swap3A_57 : i32 to index
    %swap3A_59 = arith.constant 48 : index
    %swap3A_60 = tpu.vector_load %arg6[%swap3A_58, %swap3A_59] {strides = array<i32>} : memref<2x128xi32, #tpu.memory_space<vmem>>, vector<16xi32>,
    tpu.vector_store %arg6[%swap3A_58, %swap3A_59], %add3A_56 {strides = array<i32>} : memref<2x128xi32, #tpu.memory_space<vmem>>, vector<16xi32>,
    %get3A_61 = arith.constant 0 : i32
    %get3A_62 = arith.index_cast %get3A_61 : i32 to index
    %get3A_63 = arith.constant 64 : index
    %get3A_64 = tpu.vector_load %arg6[%get3A_62, %get3A_63] {strides = array<i32>} : memref<2x128xi32, #tpu.memory_space<vmem>>, vector<16xi32>,
    %add3A_65 = vector.broadcast %mul3A_22 : i32 to vector<16xi32>
    %add3A_66 = arith.addi %get3A_64, %add3A_65 : vector<16xi32>
    %swap3A_67 = arith.constant 0 : i32
    %swap3A_68 = arith.index_cast %swap3A_67 : i32 to index
    %swap3A_69 = arith.constant 64 : index
    %swap3A_70 = tpu.vector_load %arg6[%swap3A_68, %swap3A_69] {strides = array<i32>} : memref<2x128xi32, #tpu.memory_space<vmem>>, vector<16xi32>,
    tpu.vector_store %arg6[%swap3A_68, %swap3A_69], %add3A_66 {strides = array<i32>} : memref<2x128xi32, #tpu.memory_space<vmem>>, vector<16xi32>,
    %get3A_71 = arith.constant 0 : i32
    %get3A_72 = arith.index_cast %get3A_71 : i32 to index
    %get3A_73 = arith.constant 80 : index
    %get3A_74 = tpu.vector_load %arg6[%get3A_72, %get3A_73] {strides = array<i32>} : memref<2x128xi32, #tpu.memory_space<vmem>>, vector<16xi32>,
    %add3A_75 = vector.broadcast %mul3A_22 : i32 to vector<16xi32>
    %add3A_76 = arith.addi %get3A_74, %add3A_75 : vector<16xi32>
    %swap3A_77 = arith.constant 0 : i32
    %swap3A_78 = arith.index_cast %swap3A_77 : i32 to index
    %swap3A_79 = arith.constant 80 : index
    %swap3A_80 = tpu.vector_load %arg6[%swap3A_78, %swap3A_79] {strides = array<i32>} : memref<2x128xi32, #tpu.memory_space<vmem>>, vector<16xi32>,
    tpu.vector_store %arg6[%swap3A_78, %swap3A_79], %add3A_76 {strides = array<i32>} : memref<2x128xi32, #tpu.memory_space<vmem>>, vector<16xi32>,
    %get3A_81 = arith.constant 0 : i32
    %get3A_82 = arith.index_cast %get3A_81 : i32 to index
    %get3A_83 = arith.constant 96 : index
    %get3A_84 = tpu.vector_load %arg6[%get3A_82, %get3A_83] {strides = array<i32>} : memref<2x128xi32, #tpu.memory_space<vmem>>, vector<16xi32>,
    %add3A_85 = vector.broadcast %mul3A_22 : i32 to vector<16xi32>
    %add3A_86 = arith.addi %get3A_84, %add3A_85 : vector<16xi32>
    %swap3A_87 = arith.constant 0 : i32
    %swap3A_88 = arith.index_cast %swap3A_87 : i32 to index
    %swap3A_89 = arith.constant 96 : index
    %swap3A_90 = tpu.vector_load %arg6[%swap3A_88, %swap3A_89] {strides = array<i32>} : memref<2x128xi32, #tpu.memory_space<vmem>>, vector<16xi32>,
    tpu.vector_store %arg6[%swap3A_88, %swap3A_89], %add3A_86 {strides = array<i32>} : memref<2x128xi32, #tpu.memory_space<vmem>>, vector<16xi32>,
    %get3A_91 = arith.constant 0 : i32
    %get3A_92 = arith.index_cast %get3A_91 : i32 to index
    %get3A_93 = arith.constant 112 : index
    %get3A_94 = tpu.vector_load %arg6[%get3A_92, %get3A_93] {strides = array<i32>} : memref<2x128xi32, #tpu.memory_space<vmem>>, vector<16xi32>,
    %add3A_95 = vector.broadcast %mul3A_22 : i32 to vector<16xi32>
    %add3A_96 = arith.addi %get3A_94, %add3A_95 : vector<16xi32>
    %swap3A_97 = arith.constant 0 : i32
    %swap3A_98 = arith.index_cast %swap3A_97 : i32 to index
    %swap3A_99 = arith.constant 112 : index
    %swap3A_100 = tpu.vector_load %arg6[%swap3A_98, %swap3A_99] {strides = array<i32>} : memref<2x128xi32, #tpu.memory_space<vmem>>, vector<16xi32>,
    tpu.vector_store %arg6[%swap3A_98, %swap3A_99], %add3A_96 {strides = array<i32>} : memref<2x128xi32, #tpu.memory_space<vmem>>, vector<16xi32>,
    %get3A_101 = arith.constant 1 : i32
    %get3A_102 = arith.index_cast %get3A_101 : i32 to index
    %get3A_103 = arith.constant 0 : index
    %get3A_104 = tpu.vector_load %arg6[%get3A_102, %get3A_103] {strides = array<i32>} : memref<2x128xi32, #tpu.memory_space<vmem>>, vector<16xi32>,
    %add3A_105 = vector.broadcast %mul3A_22 : i32 to vector<16xi32>
    %add3A_106 = arith.addi %get3A_104, %add3A_105 : vector<16xi32>
    %swap3A_107 = arith.constant 1 : i32
    %swap3A_108 = arith.index_cast %swap3A_107 : i32 to index
    %swap3A_109 = arith.constant 0 : index
    %swap3A_110 = tpu.vector_load %arg6[%swap3A_108, %swap3A_109] {strides = array<i32>} : memref<2x128xi32, #tpu.memory_space<vmem>>, vector<16xi32>,
    tpu.vector_store %arg6[%swap3A_108, %swap3A_109], %add3A_106 {strides = array<i32>} : memref<2x128xi32, #tpu.memory_space<vmem>>, vector<16xi32>,
    %get3A_111 = arith.constant 1 : i32
    %get3A_112 = arith.index_cast %get3A_111 : i32 to index
    %get3A_113 = arith.constant 16 : index
    %get3A_114 = tpu.vector_load %arg6[%get3A_112, %get3A_113] {strides = array<i32>} : memref<2x128xi32, #tpu.memory_space<vmem>>, vector<16xi32>,
    %add3A_115 = vector.broadcast %mul3A_22 : i32 to vector<16xi32>
    %add3A_116 = arith.addi %get3A_114, %add3A_115 : vector<16xi32>
    %swap3A_117 = arith.constant 1 : i32
    %swap3A_118 = arith.index_cast %swap3A_117 : i32 to index
    %swap3A_119 = arith.constant 16 : index
    %swap3A_120 = tpu.vector_load %arg6[%swap3A_118, %swap3A_119] {strides = array<i32>} : memref<2x128xi32, #tpu.memory_space<vmem>>, vector<16xi32>,
    tpu.vector_store %arg6[%swap3A_118, %swap3A_119], %add3A_116 {strides = array<i32>} : memref<2x128xi32, #tpu.memory_space<vmem>>, vector<16xi32>,
    %get3A_121 = arith.constant 1 : i32
    %get3A_122 = arith.index_cast %get3A_121 : i32 to index
    %get3A_123 = arith.constant 32 : index
    %get3A_124 = tpu.vector_load %arg6[%get3A_122, %get3A_123] {strides = array<i32>} : memref<2x128xi32, #tpu.memory_space<vmem>>, vector<16xi32>,
    %add3A_125 = vector.broadcast %mul3A_22 : i32 to vector<16xi32>
    %add3A_126 = arith.addi %get3A_124, %add3A_125 : vector<16xi32>
    %swap3A_127 = arith.constant 1 : i32
    %swap3A_128 = arith.index_cast %swap3A_127 : i32 to index
    %swap3A_129 = arith.constant 32 : index
    %swap3A_130 = tpu.vector_load %arg6[%swap3A_128, %swap3A_129] {strides = array<i32>} : memref<2x128xi32, #tpu.memory_space<vmem>>, vector<16xi32>,
    tpu.vector_store %arg6[%swap3A_128, %swap3A_129], %add3A_126 {strides = array<i32>} : memref<2x128xi32, #tpu.memory_space<vmem>>, vector<16xi32>,
    %get3A_131 = arith.constant 1 : i32
    %get3A_132 = arith.index_cast %get3A_131 : i32 to index
    %get3A_133 = arith.constant 48 : index
    %get3A_134 = tpu.vector_load %arg6[%get3A_132, %get3A_133] {strides = array<i32>} : memref<2x128xi32, #tpu.memory_space<vmem>>, vector<16xi32>,
    %add3A_135 = vector.broadcast %mul3A_22 : i32 to vector<16xi32>
    %add3A_136 = arith.addi %get3A_134, %add3A_135 : vector<16xi32>
    %swap3A_137 = arith.constant 1 : i32
    %swap3A_138 = arith.index_cast %swap3A_137 : i32 to index
    %swap3A_139 = arith.constant 48 : index
    %swap3A_140 = tpu.vector_load %arg6[%swap3A_138, %swap3A_139] {strides = array<i32>} : memref<2x128xi32, #tpu.memory_space<vmem>>, vector<16xi32>,
    tpu.vector_store %arg6[%swap3A_138, %swap3A_139], %add3A_136 {strides = array<i32>} : memref<2x128xi32, #tpu.memory_space<vmem>>, vector<16xi32>,
    %get3A_141 = arith.constant 1 : i32
    %get3A_142 = arith.index_cast %get3A_141 : i32 to index
    %get3A_143 = arith.constant 64 : index
    %get3A_144 = tpu.vector_load %arg6[%get3A_142, %get3A_143] {strides = array<i32>} : memref<2x128xi32, #tpu.memory_space<vmem>>, vector<16xi32>,
    %add3A_145 = vector.broadcast %mul3A_22 : i32 to vector<16xi32>
    %add3A_146 = arith.addi %get3A_144, %add3A_145 : vector<16xi32>
    %swap3A_147 = arith.constant 1 : i32
    %swap3A_148 = arith.index_cast %swap3A_147 : i32 to index
    %swap3A_149 = arith.constant 64 : index
    %swap3A_150 = tpu.vector_load %arg6[%swap3A_148, %swap3A_149] {strides = array<i32>} : memref<2x128xi32, #tpu.memory_space<vmem>>, vector<16xi32>,
    tpu.vector_store %arg6[%swap3A_148, %swap3A_149], %add3A_146 {strides = array<i32>} : memref<2x128xi32, #tpu.memory_space<vmem>>, vector<16xi32>,
    %get3A_151 = arith.constant 1 : i32
    %get3A_152 = arith.index_cast %get3A_151 : i32 to index
    %get3A_153 = arith.constant 80 : index
    %get3A_154 = tpu.vector_load %arg6[%get3A_152, %get3A_153] {strides = array<i32>} : memref<2x128xi32, #tpu.memory_space<vmem>>, vector<16xi32>,
    %add3A_155 = vector.broadcast %mul3A_22 : i32 to vector<16xi32>
    %add3A_156 = arith.addi %get3A_154, %add3A_155 : vector<16xi32>
    %swap3A_157 = arith.constant 1 : i32
    %swap3A_158 = arith.index_cast %swap3A_157 : i32 to index
    %swap3A_159 = arith.constant 80 : index
    %swap3A_160 = tpu.vector_load %arg6[%swap3A_158, %swap3A_159] {strides = array<i32>} : memref<2x128xi32, #tpu.memory_space<vmem>>, vector<16xi32>,
    tpu.vector_store %arg6[%swap3A_158, %swap3A_159], %add3A_156 {strides = array<i32>} : memref<2x128xi32, #tpu.memory_space<vmem>>, vector<16xi32>,
    %get3A_161 = arith.constant 1 : i32
    %get3A_162 = arith.index_cast %get3A_161 : i32 to index
    %get3A_163 = arith.constant 96 : index
    %get3A_164 = tpu.vector_load %arg6[%get3A_162, %get3A_163] {strides = array<i32>} : memref<2x128xi32, #tpu.memory_space<vmem>>, vector<16xi32>,
    %add3A_165 = vector.broadcast %mul3A_22 : i32 to vector<16xi32>
    %add3A_166 = arith.addi %get3A_164, %add3A_165 : vector<16xi32>
    %swap3A_167 = arith.constant 1 : i32
    %swap3A_168 = arith.index_cast %swap3A_167 : i32 to index
    %swap3A_169 = arith.constant 96 : index
    %swap3A_170 = tpu.vector_load %arg6[%swap3A_168, %swap3A_169] {strides = array<i32>} : memref<2x128xi32, #tpu.memory_space<vmem>>, vector<16xi32>,
    tpu.vector_store %arg6[%swap3A_168, %swap3A_169], %add3A_166 {strides = array<i32>} : memref<2x128xi32, #tpu.memory_space<vmem>>, vector<16xi32>,
    %get3A_171 = arith.constant 1 : i32
    %get3A_172 = arith.index_cast %get3A_171 : i32 to index
    %get3A_173 = arith.constant 112 : index
    %get3A_174 = tpu.vector_load %arg6[%get3A_172, %get3A_173] {strides = array<i32>} : memref<2x128xi32, #tpu.memory_space<vmem>>, vector<16xi32>,
    %add3A_175 = vector.broadcast %mul3A_22 : i32 to vector<16xi32>
    %add3A_176 = arith.addi %get3A_174, %add3A_175 : vector<16xi32>
    %swap3A_177 = arith.constant 1 : i32
    %swap3A_178 = arith.index_cast %swap3A_177 : i32 to index
    %swap3A_179 = arith.constant 112 : index
    %swap3A_180 = tpu.vector_load %arg6[%swap3A_178, %swap3A_179] {strides = array<i32>} : memref<2x128xi32, #tpu.memory_space<vmem>>, vector<16xi32>,
    tpu.vector_store %arg6[%swap3A_178, %swap3A_179], %add3A_176 {strides = array<i32>} : memref<2x128xi32, #tpu.memory_space<vmem>>, vector<16xi32>,
    %dma_start3A = arith.constant 0 : i32
    %dma_start3A_181 = arith.constant 0 : i32
    %dma_start3A_182 = arith.constant 0 : i32
    %dma_start3A_183 = tpu.memref_slice %arg7[%dma_start3A_181, %dma_start3A_182] : memref<256x32xf32, #tpu.memory_space<vmem>> -> memref<128x32xf32, #tpu.memory_space<vmem>>
    %dma_start3A_184 = arith.constant 0 : i32
    %dma_start3A_185 = tpu.memref_slice %arg6[%dma_start3A, %dma_start3A_184] : memref<2x128xi32, #tpu.memory_space<vmem>> -> memref<1x128xi32, #tpu.memory_space<vmem>>
    %dma_start3A_186 = tpu.memref_squeeze %dma_start3A_185 : memref<1x128xi32, #tpu.memory_space<vmem>> -> memref<128xi32, #tpu.memory_space<vmem>>
    %dma_start3A_187 = arith.constant 0 : i32
    %dma_start3A_188 = arith.constant 0 : i32
    %dma_start3A_189 = tpu.memref_slice %arg2[%dma_start3A_187, %dma_start3A_188] : memref<800000x32xf32, #tpu.memory_space<hbm>> -> memref<800000x32xf32, #tpu.memory_space<hbm>>
    tpu.enqueue_indirect_dma source(%dma_start3A_183 : memref<128x32xf32, #tpu.memory_space<vmem>>) target(%dma_start3A_189 : memref<800000x32xf32, #tpu.memory_space<hbm>>) offsets(%dma_start3A_186 : memref<128xi32, #tpu.memory_space<vmem>>) semaphore(%arg8 : memref<!tpu.dma_semaphore, #tpu.memory_space<semaphore_mem>>)
    %dma_start3A_190 = arith.constant 1 : i32
    %dma_start3A_191 = arith.constant 128 : i32
    %dma_start3A_192 = arith.constant 0 : i32
    %dma_start3A_193 = tpu.memref_slice %arg7[%dma_start3A_191, %dma_start3A_192] : memref<256x32xf32, #tpu.memory_space<vmem>> -> memref<128x32xf32, #tpu.memory_space<vmem>>
    %dma_start3A_194 = arith.constant 0 : i32
    %dma_start3A_195 = tpu.memref_slice %arg6[%dma_start3A_190, %dma_start3A_194] : memref<2x128xi32, #tpu.memory_space<vmem>> -> memref<1x128xi32, #tpu.memory_space<vmem>>
    %dma_start3A_196 = tpu.memref_squeeze %dma_start3A_195 : memref<1x128xi32, #tpu.memory_space<vmem>> -> memref<128xi32, #tpu.memory_space<vmem>>
    %dma_start3A_197 = arith.constant 0 : i32
    %dma_start3A_198 = arith.constant 0 : i32
    %dma_start3A_199 = tpu.memref_slice %arg2[%dma_start3A_197, %dma_start3A_198] : memref<800000x32xf32, #tpu.memory_space<hbm>> -> memref<800000x32xf32, #tpu.memory_space<hbm>>
    tpu.enqueue_indirect_dma source(%dma_start3A_193 : memref<128x32xf32, #tpu.memory_space<vmem>>) target(%dma_start3A_199 : memref<800000x32xf32, #tpu.memory_space<hbm>>) offsets(%dma_start3A_196 : memref<128xi32, #tpu.memory_space<vmem>>) semaphore(%arg8 : memref<!tpu.dma_semaphore, #tpu.memory_space<semaphore_mem>>)
    %dma_wait3A = arith.constant 0 : i32
    %dma_wait3A_200 = arith.constant 0 : i32
    %dma_wait3A_201 = arith.constant 0 : i32
    %dma_wait3A_202 = tpu.memref_slice %arg7[%dma_wait3A_200, %dma_wait3A_201] : memref<256x32xf32, #tpu.memory_space<vmem>> -> memref<128x32xf32, #tpu.memory_space<vmem>>
    %dma_wait3A_203 = arith.constant 0 : i32
    %dma_wait3A_204 = tpu.memref_slice %arg6[%dma_wait3A, %dma_wait3A_203] : memref<2x128xi32, #tpu.memory_space<vmem>> -> memref<1x128xi32, #tpu.memory_space<vmem>>
    %dma_wait3A_205 = tpu.memref_squeeze %dma_wait3A_204 : memref<1x128xi32, #tpu.memory_space<vmem>> -> memref<128xi32, #tpu.memory_space<vmem>>
    %dma_wait3A_206 = arith.constant 0 : i32
    %dma_wait3A_207 = arith.constant 0 : i32
    %dma_wait3A_208 = tpu.memref_slice %arg2[%dma_wait3A_206, %dma_wait3A_207] : memref<800000x32xf32, #tpu.memory_space<hbm>> -> memref<800000x32xf32, #tpu.memory_space<hbm>>
    tpu.wait_indirect_dma semaphore(%arg8 : memref<!tpu.dma_semaphore, #tpu.memory_space<semaphore_mem>>) src(%dma_wait3A_202 : memref<128x32xf32, #tpu.memory_space<vmem>>) dst(%dma_wait3A_208 : memref<800000x32xf32, #tpu.memory_space<hbm>>)
    %dma_wait3A_209 = arith.constant 1 : i32
    %dma_wait3A_210 = arith.constant 128 : i32
    %dma_wait3A_211 = arith.constant 0 : i32
    %dma_wait3A_212 = tpu.memref_slice %arg7[%dma_wait3A_210, %dma_wait3A_211] : memref<256x32xf32, #tpu.memory_space<vmem>> -> memref<128x32xf32, #tpu.memory_space<vmem>>
    %dma_wait3A_213 = arith.constant 0 : i32
    %dma_wait3A_214 = tpu.memref_slice %arg6[%dma_wait3A_209, %dma_wait3A_213] : memref<2x128xi32, #tpu.memory_space<vmem>> -> memref<1x128xi32, #tpu.memory_space<vmem>>
    %dma_wait3A_215 = tpu.memref_squeeze %dma_wait3A_214 : memref<1x128xi32, #tpu.memory_space<vmem>> -> memref<128xi32, #tpu.memory_space<vmem>>
    %dma_wait3A_216 = arith.constant 0 : i32
    %dma_wait3A_217 = arith.constant 0 : i32
    %dma_wait3A_218 = tpu.memref_slice %arg2[%dma_wait3A_216, %dma_wait3A_217] : memref<800000x32xf32, #tpu.memory_space<hbm>> -> memref<800000x32xf32, #tpu.memory_space<hbm>>
    tpu.wait_indirect_dma semaphore(%arg8 : memref<!tpu.dma_semaphore, #tpu.memory_space<semaphore_mem>>) src(%dma_wait3A_212 : memref<128x32xf32, #tpu.memory_space<vmem>>) dst(%dma_wait3A_218 : memref<800000x32xf32, #tpu.memory_space<hbm>>)
    return
  }
}

#map = affine_map<(d0, d1) -> (0, 0)>
#map1 = affine_map<(d0, d1) -> (0)>
module attributes {stable_mosaic.version = 14 : i64} {
  func.func @_sc_gather(%arg0: i32, %arg1: i32, %arg2: memref<64x128xi32, #tpu.memory_space<hbm>>, %arg3: memref<100000x32xf32, #tpu.memory_space<hbm>>, %arg4: memref<100000xf32, #tpu.memory_space<hbm>>, %arg5: memref<8192x32xf32, #tpu.memory_space<hbm>>, %arg6: memref<64x128xf32, #tpu.memory_space<hbm>>, %arg7: memref<2x128xi32, #tpu.memory_space<vmem>>, %arg8: memref<256x32xf32, #tpu.memory_space<vmem>>, %arg9: memref<2x128xf32, #tpu.memory_space<vmem>>, %arg10: memref<100000xf32, #tpu.memory_space<vmem>>, %arg11: memref<!tpu.dma_semaphore, #tpu.memory_space<semaphore_mem>>) attributes {dimension_semantics = [#tpu.dimension_semantics<core_parallel>, #tpu.dimension_semantics<subcore_parallel>], iteration_bounds = array<i64: 2, 16>, scalar_prefetch = 0 : i64, scratch_operands = 5 : i64, tpu.core_type = #tpu.core_type<sc_vector_subcore>, window_params = [{transform_indices = #map}, {transform_indices = #map}, {transform_indices = #map1}, {transform_indices = #map}, {transform_indices = #map}]} {
    %mul3A = arith.constant 2 : i32
    %mul3A_0 = arith.muli %arg1, %mul3A : i32
    %add3A = arith.addi %mul3A_0, %arg0 : i32
    %mul3A_1 = arith.constant 256 : i32
    %mul3A_2 = arith.muli %add3A, %mul3A_1 : i32
    %mul3A_3 = arith.constant 2 : i32
    %mul3A_4 = arith.muli %add3A, %mul3A_3 : i32
    "tpu.region"() ({
      %run_scoped3A = tpu.sem_alloc : memref<!tpu.dma_semaphore, #tpu.memory_space<semaphore_mem>>
      %dma_start3A_186 = arith.constant 0 : i32
      %dma_start3A_187 = tpu.memref_slice %arg2[%mul3A_4, %dma_start3A_186] : memref<64x128xi32, #tpu.memory_space<hbm>> -> memref<2x128xi32, #tpu.memory_space<hbm>>
      %dma_start3A_188 = arith.constant 0 : i32
      %dma_start3A_189 = tpu.memref_slice %arg2[%mul3A_4, %dma_start3A_188] : memref<64x128xi32, #tpu.memory_space<hbm>> -> memref<2x128xi32, #tpu.memory_space<hbm>>
      tpu.enqueue_dma source(%dma_start3A_189 : memref<2x128xi32, #tpu.memory_space<hbm>>) target(%arg7 : memref<2x128xi32, #tpu.memory_space<vmem>>) target_semaphore(%run_scoped3A : memref<!tpu.dma_semaphore, #tpu.memory_space<semaphore_mem>>)
      %dma_wait3A_190 = arith.constant 0 : i32
      %dma_wait3A_191 = tpu.memref_slice %arg2[%mul3A_4, %dma_wait3A_190] : memref<64x128xi32, #tpu.memory_space<hbm>> -> memref<2x128xi32, #tpu.memory_space<hbm>>
      %dma_wait3A_192 = arith.constant 0 : i32
      %dma_wait3A_193 = tpu.memref_slice %arg2[%mul3A_4, %dma_wait3A_192] : memref<64x128xi32, #tpu.memory_space<hbm>> -> memref<2x128xi32, #tpu.memory_space<hbm>>
      tpu.wait_dma2 semaphore(%run_scoped3A : memref<!tpu.dma_semaphore, #tpu.memory_space<semaphore_mem>>) src(%dma_wait3A_193 : memref<2x128xi32, #tpu.memory_space<hbm>>) dst(%arg7 : memref<2x128xi32, #tpu.memory_space<vmem>>)
      tpu.yield
    }) : () -> ()
    tpu.enqueue_dma source(%arg4 : memref<100000xf32, #tpu.memory_space<hbm>>) target(%arg10 : memref<100000xf32, #tpu.memory_space<vmem>>) target_semaphore(%arg11 : memref<!tpu.dma_semaphore, #tpu.memory_space<semaphore_mem>>)
    %dma_start3A = arith.constant 0 : i32
    %dma_start3A_5 = arith.constant 0 : i32
    %dma_start3A_6 = arith.constant 0 : i32
    %dma_start3A_7 = tpu.memref_slice %arg8[%dma_start3A_5, %dma_start3A_6] : memref<256x32xf32, #tpu.memory_space<vmem>> -> memref<128x32xf32, #tpu.memory_space<vmem>>
    %dma_start3A_8 = arith.constant 0 : i32
    %dma_start3A_9 = tpu.memref_slice %arg7[%dma_start3A, %dma_start3A_8] : memref<2x128xi32, #tpu.memory_space<vmem>> -> memref<1x128xi32, #tpu.memory_space<vmem>>
    %dma_start3A_10 = tpu.memref_squeeze %dma_start3A_9 : memref<1x128xi32, #tpu.memory_space<vmem>> -> memref<128xi32, #tpu.memory_space<vmem>>
    %dma_start3A_11 = arith.constant 0 : i32
    %dma_start3A_12 = arith.constant 0 : i32
    %dma_start3A_13 = tpu.memref_slice %arg3[%dma_start3A_11, %dma_start3A_12] : memref<100000x32xf32, #tpu.memory_space<hbm>> -> memref<100000x32xf32, #tpu.memory_space<hbm>>
    tpu.enqueue_indirect_dma source(%dma_start3A_13 : memref<100000x32xf32, #tpu.memory_space<hbm>>) target(%dma_start3A_7 : memref<128x32xf32, #tpu.memory_space<vmem>>) offsets(%dma_start3A_10 : memref<128xi32, #tpu.memory_space<vmem>>) semaphore(%arg11 : memref<!tpu.dma_semaphore, #tpu.memory_space<semaphore_mem>>)
    %dma_start3A_14 = arith.constant 1 : i32
    %dma_start3A_15 = arith.constant 128 : i32
    %dma_start3A_16 = arith.constant 0 : i32
    %dma_start3A_17 = tpu.memref_slice %arg8[%dma_start3A_15, %dma_start3A_16] : memref<256x32xf32, #tpu.memory_space<vmem>> -> memref<128x32xf32, #tpu.memory_space<vmem>>
    %dma_start3A_18 = arith.constant 0 : i32
    %dma_start3A_19 = tpu.memref_slice %arg7[%dma_start3A_14, %dma_start3A_18] : memref<2x128xi32, #tpu.memory_space<vmem>> -> memref<1x128xi32, #tpu.memory_space<vmem>>
    %dma_start3A_20 = tpu.memref_squeeze %dma_start3A_19 : memref<1x128xi32, #tpu.memory_space<vmem>> -> memref<128xi32, #tpu.memory_space<vmem>>
    %dma_start3A_21 = arith.constant 0 : i32
    %dma_start3A_22 = arith.constant 0 : i32
    %dma_start3A_23 = tpu.memref_slice %arg3[%dma_start3A_21, %dma_start3A_22] : memref<100000x32xf32, #tpu.memory_space<hbm>> -> memref<100000x32xf32, #tpu.memory_space<hbm>>
    tpu.enqueue_indirect_dma source(%dma_start3A_23 : memref<100000x32xf32, #tpu.memory_space<hbm>>) target(%dma_start3A_17 : memref<128x32xf32, #tpu.memory_space<vmem>>) offsets(%dma_start3A_20 : memref<128xi32, #tpu.memory_space<vmem>>) semaphore(%arg11 : memref<!tpu.dma_semaphore, #tpu.memory_space<semaphore_mem>>)
    tpu.wait_dma2 semaphore(%arg11 : memref<!tpu.dma_semaphore, #tpu.memory_space<semaphore_mem>>) src(%arg4 : memref<100000xf32, #tpu.memory_space<hbm>>) dst(%arg10 : memref<100000xf32, #tpu.memory_space<vmem>>)
    %get3A = arith.constant 0 : i32
    %get3A_24 = arith.index_cast %get3A : i32 to index
    %get3A_25 = arith.constant 0 : index
    %get3A_26 = tpu.vector_load %arg7[%get3A_24, %get3A_25] {strides = array<i32>} : memref<2x128xi32, #tpu.memory_space<vmem>>, vector<16xi32>,
    %gather3A = tpu.vector_load_idx %arg10[%get3A_26] : memref<100000xf32, #tpu.memory_space<vmem>>[vector<16xi32>], vector<16xf32>,
    %swap3A = arith.constant 0 : i32
    %swap3A_27 = arith.index_cast %swap3A : i32 to index
    %swap3A_28 = arith.constant 0 : index
    %swap3A_29 = tpu.vector_load %arg9[%swap3A_27, %swap3A_28] {strides = array<i32>} : memref<2x128xf32, #tpu.memory_space<vmem>>, vector<16xf32>,
    tpu.vector_store %arg9[%swap3A_27, %swap3A_28], %gather3A {strides = array<i32>} : memref<2x128xf32, #tpu.memory_space<vmem>>, vector<16xf32>,
    %get3A_30 = arith.constant 0 : i32
    %get3A_31 = arith.index_cast %get3A_30 : i32 to index
    %get3A_32 = arith.constant 16 : index
    %get3A_33 = tpu.vector_load %arg7[%get3A_31, %get3A_32] {strides = array<i32>} : memref<2x128xi32, #tpu.memory_space<vmem>>, vector<16xi32>,
    %gather3A_34 = tpu.vector_load_idx %arg10[%get3A_33] : memref<100000xf32, #tpu.memory_space<vmem>>[vector<16xi32>], vector<16xf32>,
    %swap3A_35 = arith.constant 0 : i32
    %swap3A_36 = arith.index_cast %swap3A_35 : i32 to index
    %swap3A_37 = arith.constant 16 : index
    %swap3A_38 = tpu.vector_load %arg9[%swap3A_36, %swap3A_37] {strides = array<i32>} : memref<2x128xf32, #tpu.memory_space<vmem>>, vector<16xf32>,
    tpu.vector_store %arg9[%swap3A_36, %swap3A_37], %gather3A_34 {strides = array<i32>} : memref<2x128xf32, #tpu.memory_space<vmem>>, vector<16xf32>,
    %get3A_39 = arith.constant 0 : i32
    %get3A_40 = arith.index_cast %get3A_39 : i32 to index
    %get3A_41 = arith.constant 32 : index
    %get3A_42 = tpu.vector_load %arg7[%get3A_40, %get3A_41] {strides = array<i32>} : memref<2x128xi32, #tpu.memory_space<vmem>>, vector<16xi32>,
    %gather3A_43 = tpu.vector_load_idx %arg10[%get3A_42] : memref<100000xf32, #tpu.memory_space<vmem>>[vector<16xi32>], vector<16xf32>,
    %swap3A_44 = arith.constant 0 : i32
    %swap3A_45 = arith.index_cast %swap3A_44 : i32 to index
    %swap3A_46 = arith.constant 32 : index
    %swap3A_47 = tpu.vector_load %arg9[%swap3A_45, %swap3A_46] {strides = array<i32>} : memref<2x128xf32, #tpu.memory_space<vmem>>, vector<16xf32>,
    tpu.vector_store %arg9[%swap3A_45, %swap3A_46], %gather3A_43 {strides = array<i32>} : memref<2x128xf32, #tpu.memory_space<vmem>>, vector<16xf32>,
    %get3A_48 = arith.constant 0 : i32
    %get3A_49 = arith.index_cast %get3A_48 : i32 to index
    %get3A_50 = arith.constant 48 : index
    %get3A_51 = tpu.vector_load %arg7[%get3A_49, %get3A_50] {strides = array<i32>} : memref<2x128xi32, #tpu.memory_space<vmem>>, vector<16xi32>,
    %gather3A_52 = tpu.vector_load_idx %arg10[%get3A_51] : memref<100000xf32, #tpu.memory_space<vmem>>[vector<16xi32>], vector<16xf32>,
    %swap3A_53 = arith.constant 0 : i32
    %swap3A_54 = arith.index_cast %swap3A_53 : i32 to index
    %swap3A_55 = arith.constant 48 : index
    %swap3A_56 = tpu.vector_load %arg9[%swap3A_54, %swap3A_55] {strides = array<i32>} : memref<2x128xf32, #tpu.memory_space<vmem>>, vector<16xf32>,
    tpu.vector_store %arg9[%swap3A_54, %swap3A_55], %gather3A_52 {strides = array<i32>} : memref<2x128xf32, #tpu.memory_space<vmem>>, vector<16xf32>,
    %get3A_57 = arith.constant 0 : i32
    %get3A_58 = arith.index_cast %get3A_57 : i32 to index
    %get3A_59 = arith.constant 64 : index
    %get3A_60 = tpu.vector_load %arg7[%get3A_58, %get3A_59] {strides = array<i32>} : memref<2x128xi32, #tpu.memory_space<vmem>>, vector<16xi32>,
    %gather3A_61 = tpu.vector_load_idx %arg10[%get3A_60] : memref<100000xf32, #tpu.memory_space<vmem>>[vector<16xi32>], vector<16xf32>,
    %swap3A_62 = arith.constant 0 : i32
    %swap3A_63 = arith.index_cast %swap3A_62 : i32 to index
    %swap3A_64 = arith.constant 64 : index
    %swap3A_65 = tpu.vector_load %arg9[%swap3A_63, %swap3A_64] {strides = array<i32>} : memref<2x128xf32, #tpu.memory_space<vmem>>, vector<16xf32>,
    tpu.vector_store %arg9[%swap3A_63, %swap3A_64], %gather3A_61 {strides = array<i32>} : memref<2x128xf32, #tpu.memory_space<vmem>>, vector<16xf32>,
    %get3A_66 = arith.constant 0 : i32
    %get3A_67 = arith.index_cast %get3A_66 : i32 to index
    %get3A_68 = arith.constant 80 : index
    %get3A_69 = tpu.vector_load %arg7[%get3A_67, %get3A_68] {strides = array<i32>} : memref<2x128xi32, #tpu.memory_space<vmem>>, vector<16xi32>,
    %gather3A_70 = tpu.vector_load_idx %arg10[%get3A_69] : memref<100000xf32, #tpu.memory_space<vmem>>[vector<16xi32>], vector<16xf32>,
    %swap3A_71 = arith.constant 0 : i32
    %swap3A_72 = arith.index_cast %swap3A_71 : i32 to index
    %swap3A_73 = arith.constant 80 : index
    %swap3A_74 = tpu.vector_load %arg9[%swap3A_72, %swap3A_73] {strides = array<i32>} : memref<2x128xf32, #tpu.memory_space<vmem>>, vector<16xf32>,
    tpu.vector_store %arg9[%swap3A_72, %swap3A_73], %gather3A_70 {strides = array<i32>} : memref<2x128xf32, #tpu.memory_space<vmem>>, vector<16xf32>,
    %get3A_75 = arith.constant 0 : i32
    %get3A_76 = arith.index_cast %get3A_75 : i32 to index
    %get3A_77 = arith.constant 96 : index
    %get3A_78 = tpu.vector_load %arg7[%get3A_76, %get3A_77] {strides = array<i32>} : memref<2x128xi32, #tpu.memory_space<vmem>>, vector<16xi32>,
    %gather3A_79 = tpu.vector_load_idx %arg10[%get3A_78] : memref<100000xf32, #tpu.memory_space<vmem>>[vector<16xi32>], vector<16xf32>,
    %swap3A_80 = arith.constant 0 : i32
    %swap3A_81 = arith.index_cast %swap3A_80 : i32 to index
    %swap3A_82 = arith.constant 96 : index
    %swap3A_83 = tpu.vector_load %arg9[%swap3A_81, %swap3A_82] {strides = array<i32>} : memref<2x128xf32, #tpu.memory_space<vmem>>, vector<16xf32>,
    tpu.vector_store %arg9[%swap3A_81, %swap3A_82], %gather3A_79 {strides = array<i32>} : memref<2x128xf32, #tpu.memory_space<vmem>>, vector<16xf32>,
    %get3A_84 = arith.constant 0 : i32
    %get3A_85 = arith.index_cast %get3A_84 : i32 to index
    %get3A_86 = arith.constant 112 : index
    %get3A_87 = tpu.vector_load %arg7[%get3A_85, %get3A_86] {strides = array<i32>} : memref<2x128xi32, #tpu.memory_space<vmem>>, vector<16xi32>,
    %gather3A_88 = tpu.vector_load_idx %arg10[%get3A_87] : memref<100000xf32, #tpu.memory_space<vmem>>[vector<16xi32>], vector<16xf32>,
    %swap3A_89 = arith.constant 0 : i32
    %swap3A_90 = arith.index_cast %swap3A_89 : i32 to index
    %swap3A_91 = arith.constant 112 : index
    %swap3A_92 = tpu.vector_load %arg9[%swap3A_90, %swap3A_91] {strides = array<i32>} : memref<2x128xf32, #tpu.memory_space<vmem>>, vector<16xf32>,
    tpu.vector_store %arg9[%swap3A_90, %swap3A_91], %gather3A_88 {strides = array<i32>} : memref<2x128xf32, #tpu.memory_space<vmem>>, vector<16xf32>,
    %get3A_93 = arith.constant 1 : i32
    %get3A_94 = arith.index_cast %get3A_93 : i32 to index
    %get3A_95 = arith.constant 0 : index
    %get3A_96 = tpu.vector_load %arg7[%get3A_94, %get3A_95] {strides = array<i32>} : memref<2x128xi32, #tpu.memory_space<vmem>>, vector<16xi32>,
    %gather3A_97 = tpu.vector_load_idx %arg10[%get3A_96] : memref<100000xf32, #tpu.memory_space<vmem>>[vector<16xi32>], vector<16xf32>,
    %swap3A_98 = arith.constant 1 : i32
    %swap3A_99 = arith.index_cast %swap3A_98 : i32 to index
    %swap3A_100 = arith.constant 0 : index
    %swap3A_101 = tpu.vector_load %arg9[%swap3A_99, %swap3A_100] {strides = array<i32>} : memref<2x128xf32, #tpu.memory_space<vmem>>, vector<16xf32>,
    tpu.vector_store %arg9[%swap3A_99, %swap3A_100], %gather3A_97 {strides = array<i32>} : memref<2x128xf32, #tpu.memory_space<vmem>>, vector<16xf32>,
    %get3A_102 = arith.constant 1 : i32
    %get3A_103 = arith.index_cast %get3A_102 : i32 to index
    %get3A_104 = arith.constant 16 : index
    %get3A_105 = tpu.vector_load %arg7[%get3A_103, %get3A_104] {strides = array<i32>} : memref<2x128xi32, #tpu.memory_space<vmem>>, vector<16xi32>,
    %gather3A_106 = tpu.vector_load_idx %arg10[%get3A_105] : memref<100000xf32, #tpu.memory_space<vmem>>[vector<16xi32>], vector<16xf32>,
    %swap3A_107 = arith.constant 1 : i32
    %swap3A_108 = arith.index_cast %swap3A_107 : i32 to index
    %swap3A_109 = arith.constant 16 : index
    %swap3A_110 = tpu.vector_load %arg9[%swap3A_108, %swap3A_109] {strides = array<i32>} : memref<2x128xf32, #tpu.memory_space<vmem>>, vector<16xf32>,
    tpu.vector_store %arg9[%swap3A_108, %swap3A_109], %gather3A_106 {strides = array<i32>} : memref<2x128xf32, #tpu.memory_space<vmem>>, vector<16xf32>,
    %get3A_111 = arith.constant 1 : i32
    %get3A_112 = arith.index_cast %get3A_111 : i32 to index
    %get3A_113 = arith.constant 32 : index
    %get3A_114 = tpu.vector_load %arg7[%get3A_112, %get3A_113] {strides = array<i32>} : memref<2x128xi32, #tpu.memory_space<vmem>>, vector<16xi32>,
    %gather3A_115 = tpu.vector_load_idx %arg10[%get3A_114] : memref<100000xf32, #tpu.memory_space<vmem>>[vector<16xi32>], vector<16xf32>,
    %swap3A_116 = arith.constant 1 : i32
    %swap3A_117 = arith.index_cast %swap3A_116 : i32 to index
    %swap3A_118 = arith.constant 32 : index
    %swap3A_119 = tpu.vector_load %arg9[%swap3A_117, %swap3A_118] {strides = array<i32>} : memref<2x128xf32, #tpu.memory_space<vmem>>, vector<16xf32>,
    tpu.vector_store %arg9[%swap3A_117, %swap3A_118], %gather3A_115 {strides = array<i32>} : memref<2x128xf32, #tpu.memory_space<vmem>>, vector<16xf32>,
    %get3A_120 = arith.constant 1 : i32
    %get3A_121 = arith.index_cast %get3A_120 : i32 to index
    %get3A_122 = arith.constant 48 : index
    %get3A_123 = tpu.vector_load %arg7[%get3A_121, %get3A_122] {strides = array<i32>} : memref<2x128xi32, #tpu.memory_space<vmem>>, vector<16xi32>,
    %gather3A_124 = tpu.vector_load_idx %arg10[%get3A_123] : memref<100000xf32, #tpu.memory_space<vmem>>[vector<16xi32>], vector<16xf32>,
    %swap3A_125 = arith.constant 1 : i32
    %swap3A_126 = arith.index_cast %swap3A_125 : i32 to index
    %swap3A_127 = arith.constant 48 : index
    %swap3A_128 = tpu.vector_load %arg9[%swap3A_126, %swap3A_127] {strides = array<i32>} : memref<2x128xf32, #tpu.memory_space<vmem>>, vector<16xf32>,
    tpu.vector_store %arg9[%swap3A_126, %swap3A_127], %gather3A_124 {strides = array<i32>} : memref<2x128xf32, #tpu.memory_space<vmem>>, vector<16xf32>,
    %get3A_129 = arith.constant 1 : i32
    %get3A_130 = arith.index_cast %get3A_129 : i32 to index
    %get3A_131 = arith.constant 64 : index
    %get3A_132 = tpu.vector_load %arg7[%get3A_130, %get3A_131] {strides = array<i32>} : memref<2x128xi32, #tpu.memory_space<vmem>>, vector<16xi32>,
    %gather3A_133 = tpu.vector_load_idx %arg10[%get3A_132] : memref<100000xf32, #tpu.memory_space<vmem>>[vector<16xi32>], vector<16xf32>,
    %swap3A_134 = arith.constant 1 : i32
    %swap3A_135 = arith.index_cast %swap3A_134 : i32 to index
    %swap3A_136 = arith.constant 64 : index
    %swap3A_137 = tpu.vector_load %arg9[%swap3A_135, %swap3A_136] {strides = array<i32>} : memref<2x128xf32, #tpu.memory_space<vmem>>, vector<16xf32>,
    tpu.vector_store %arg9[%swap3A_135, %swap3A_136], %gather3A_133 {strides = array<i32>} : memref<2x128xf32, #tpu.memory_space<vmem>>, vector<16xf32>,
    %get3A_138 = arith.constant 1 : i32
    %get3A_139 = arith.index_cast %get3A_138 : i32 to index
    %get3A_140 = arith.constant 80 : index
    %get3A_141 = tpu.vector_load %arg7[%get3A_139, %get3A_140] {strides = array<i32>} : memref<2x128xi32, #tpu.memory_space<vmem>>, vector<16xi32>,
    %gather3A_142 = tpu.vector_load_idx %arg10[%get3A_141] : memref<100000xf32, #tpu.memory_space<vmem>>[vector<16xi32>], vector<16xf32>,
    %swap3A_143 = arith.constant 1 : i32
    %swap3A_144 = arith.index_cast %swap3A_143 : i32 to index
    %swap3A_145 = arith.constant 80 : index
    %swap3A_146 = tpu.vector_load %arg9[%swap3A_144, %swap3A_145] {strides = array<i32>} : memref<2x128xf32, #tpu.memory_space<vmem>>, vector<16xf32>,
    tpu.vector_store %arg9[%swap3A_144, %swap3A_145], %gather3A_142 {strides = array<i32>} : memref<2x128xf32, #tpu.memory_space<vmem>>, vector<16xf32>,
    %get3A_147 = arith.constant 1 : i32
    %get3A_148 = arith.index_cast %get3A_147 : i32 to index
    %get3A_149 = arith.constant 96 : index
    %get3A_150 = tpu.vector_load %arg7[%get3A_148, %get3A_149] {strides = array<i32>} : memref<2x128xi32, #tpu.memory_space<vmem>>, vector<16xi32>,
    %gather3A_151 = tpu.vector_load_idx %arg10[%get3A_150] : memref<100000xf32, #tpu.memory_space<vmem>>[vector<16xi32>], vector<16xf32>,
    %swap3A_152 = arith.constant 1 : i32
    %swap3A_153 = arith.index_cast %swap3A_152 : i32 to index
    %swap3A_154 = arith.constant 96 : index
    %swap3A_155 = tpu.vector_load %arg9[%swap3A_153, %swap3A_154] {strides = array<i32>} : memref<2x128xf32, #tpu.memory_space<vmem>>, vector<16xf32>,
    tpu.vector_store %arg9[%swap3A_153, %swap3A_154], %gather3A_151 {strides = array<i32>} : memref<2x128xf32, #tpu.memory_space<vmem>>, vector<16xf32>,
    %get3A_156 = arith.constant 1 : i32
    %get3A_157 = arith.index_cast %get3A_156 : i32 to index
    %get3A_158 = arith.constant 112 : index
    %get3A_159 = tpu.vector_load %arg7[%get3A_157, %get3A_158] {strides = array<i32>} : memref<2x128xi32, #tpu.memory_space<vmem>>, vector<16xi32>,
    %gather3A_160 = tpu.vector_load_idx %arg10[%get3A_159] : memref<100000xf32, #tpu.memory_space<vmem>>[vector<16xi32>], vector<16xf32>,
    %swap3A_161 = arith.constant 1 : i32
    %swap3A_162 = arith.index_cast %swap3A_161 : i32 to index
    %swap3A_163 = arith.constant 112 : index
    %swap3A_164 = tpu.vector_load %arg9[%swap3A_162, %swap3A_163] {strides = array<i32>} : memref<2x128xf32, #tpu.memory_space<vmem>>, vector<16xf32>,
    tpu.vector_store %arg9[%swap3A_162, %swap3A_163], %gather3A_160 {strides = array<i32>} : memref<2x128xf32, #tpu.memory_space<vmem>>, vector<16xf32>,
    %dma_wait3A = arith.constant 0 : i32
    %dma_wait3A_165 = arith.constant 0 : i32
    %dma_wait3A_166 = arith.constant 0 : i32
    %dma_wait3A_167 = tpu.memref_slice %arg8[%dma_wait3A_165, %dma_wait3A_166] : memref<256x32xf32, #tpu.memory_space<vmem>> -> memref<128x32xf32, #tpu.memory_space<vmem>>
    %dma_wait3A_168 = arith.constant 0 : i32
    %dma_wait3A_169 = tpu.memref_slice %arg7[%dma_wait3A, %dma_wait3A_168] : memref<2x128xi32, #tpu.memory_space<vmem>> -> memref<1x128xi32, #tpu.memory_space<vmem>>
    %dma_wait3A_170 = tpu.memref_squeeze %dma_wait3A_169 : memref<1x128xi32, #tpu.memory_space<vmem>> -> memref<128xi32, #tpu.memory_space<vmem>>
    %dma_wait3A_171 = arith.constant 0 : i32
    %dma_wait3A_172 = arith.constant 0 : i32
    %dma_wait3A_173 = tpu.memref_slice %arg3[%dma_wait3A_171, %dma_wait3A_172] : memref<100000x32xf32, #tpu.memory_space<hbm>> -> memref<100000x32xf32, #tpu.memory_space<hbm>>
    tpu.wait_indirect_dma semaphore(%arg11 : memref<!tpu.dma_semaphore, #tpu.memory_space<semaphore_mem>>) src(%dma_wait3A_173 : memref<100000x32xf32, #tpu.memory_space<hbm>>) dst(%dma_wait3A_167 : memref<128x32xf32, #tpu.memory_space<vmem>>)
    %dma_wait3A_174 = arith.constant 1 : i32
    %dma_wait3A_175 = arith.constant 128 : i32
    %dma_wait3A_176 = arith.constant 0 : i32
    %dma_wait3A_177 = tpu.memref_slice %arg8[%dma_wait3A_175, %dma_wait3A_176] : memref<256x32xf32, #tpu.memory_space<vmem>> -> memref<128x32xf32, #tpu.memory_space<vmem>>
    %dma_wait3A_178 = arith.constant 0 : i32
    %dma_wait3A_179 = tpu.memref_slice %arg7[%dma_wait3A_174, %dma_wait3A_178] : memref<2x128xi32, #tpu.memory_space<vmem>> -> memref<1x128xi32, #tpu.memory_space<vmem>>
    %dma_wait3A_180 = tpu.memref_squeeze %dma_wait3A_179 : memref<1x128xi32, #tpu.memory_space<vmem>> -> memref<128xi32, #tpu.memory_space<vmem>>
    %dma_wait3A_181 = arith.constant 0 : i32
    %dma_wait3A_182 = arith.constant 0 : i32
    %dma_wait3A_183 = tpu.memref_slice %arg3[%dma_wait3A_181, %dma_wait3A_182] : memref<100000x32xf32, #tpu.memory_space<hbm>> -> memref<100000x32xf32, #tpu.memory_space<hbm>>
    tpu.wait_indirect_dma semaphore(%arg11 : memref<!tpu.dma_semaphore, #tpu.memory_space<semaphore_mem>>) src(%dma_wait3A_183 : memref<100000x32xf32, #tpu.memory_space<hbm>>) dst(%dma_wait3A_177 : memref<128x32xf32, #tpu.memory_space<vmem>>)
    "tpu.region"() ({
      %run_scoped3A = tpu.sem_alloc : memref<!tpu.dma_semaphore, #tpu.memory_space<semaphore_mem>>
      %dma_start3A_186 = arith.constant 0 : i32
      %dma_start3A_187 = tpu.memref_slice %arg5[%mul3A_2, %dma_start3A_186] : memref<8192x32xf32, #tpu.memory_space<hbm>> -> memref<256x32xf32, #tpu.memory_space<hbm>>
      %dma_start3A_188 = arith.constant 0 : i32
      %dma_start3A_189 = tpu.memref_slice %arg5[%mul3A_2, %dma_start3A_188] : memref<8192x32xf32, #tpu.memory_space<hbm>> -> memref<256x32xf32, #tpu.memory_space<hbm>>
      tpu.enqueue_dma source(%arg8 : memref<256x32xf32, #tpu.memory_space<vmem>>) target(%dma_start3A_189 : memref<256x32xf32, #tpu.memory_space<hbm>>) target_semaphore(%run_scoped3A : memref<!tpu.dma_semaphore, #tpu.memory_space<semaphore_mem>>)
      %dma_wait3A_190 = arith.constant 0 : i32
      %dma_wait3A_191 = tpu.memref_slice %arg5[%mul3A_2, %dma_wait3A_190] : memref<8192x32xf32, #tpu.memory_space<hbm>> -> memref<256x32xf32, #tpu.memory_space<hbm>>
      %dma_wait3A_192 = arith.constant 0 : i32
      %dma_wait3A_193 = tpu.memref_slice %arg5[%mul3A_2, %dma_wait3A_192] : memref<8192x32xf32, #tpu.memory_space<hbm>> -> memref<256x32xf32, #tpu.memory_space<hbm>>
      tpu.wait_dma2 semaphore(%run_scoped3A : memref<!tpu.dma_semaphore, #tpu.memory_space<semaphore_mem>>) src(%arg8 : memref<256x32xf32, #tpu.memory_space<vmem>>) dst(%dma_wait3A_193 : memref<256x32xf32, #tpu.memory_space<hbm>>)
      tpu.yield
    }) : () -> ()
    %mul3A_184 = arith.constant 2 : i32
    %mul3A_185 = arith.muli %add3A, %mul3A_184 : i32
    "tpu.region"() ({
      %run_scoped3A = tpu.sem_alloc : memref<!tpu.dma_semaphore, #tpu.memory_space<semaphore_mem>>
      %dma_start3A_186 = arith.constant 0 : i32
      %dma_start3A_187 = tpu.memref_slice %arg6[%mul3A_185, %dma_start3A_186] : memref<64x128xf32, #tpu.memory_space<hbm>> -> memref<2x128xf32, #tpu.memory_space<hbm>>
      %dma_start3A_188 = arith.constant 0 : i32
      %dma_start3A_189 = tpu.memref_slice %arg6[%mul3A_185, %dma_start3A_188] : memref<64x128xf32, #tpu.memory_space<hbm>> -> memref<2x128xf32, #tpu.memory_space<hbm>>
      tpu.enqueue_dma source(%arg9 : memref<2x128xf32, #tpu.memory_space<vmem>>) target(%dma_start3A_189 : memref<2x128xf32, #tpu.memory_space<hbm>>) target_semaphore(%run_scoped3A : memref<!tpu.dma_semaphore, #tpu.memory_space<semaphore_mem>>)
      %dma_wait3A_190 = arith.constant 0 : i32
      %dma_wait3A_191 = tpu.memref_slice %arg6[%mul3A_185, %dma_wait3A_190] : memref<64x128xf32, #tpu.memory_space<hbm>> -> memref<2x128xf32, #tpu.memory_space<hbm>>
      %dma_wait3A_192 = arith.constant 0 : i32
      %dma_wait3A_193 = tpu.memref_slice %arg6[%mul3A_185, %dma_wait3A_192] : memref<64x128xf32, #tpu.memory_space<hbm>> -> memref<2x128xf32, #tpu.memory_space<hbm>>
      tpu.wait_dma2 semaphore(%run_scoped3A : memref<!tpu.dma_semaphore, #tpu.memory_space<semaphore_mem>>) src(%arg9 : memref<2x128xf32, #tpu.memory_space<vmem>>) dst(%dma_wait3A_193 : memref<2x128xf32, #tpu.memory_space<hbm>>)
      tpu.yield
    }) : () -> ()
    return
  }
}

module attributes {stable_mosaic.version = 14 : i64} {
  func.func @_prefill_body(%arg0: i32, %arg1: i32, %arg2: memref<5000x128xf32, #tpu.memory_space<vmem>>, %arg3: memref<5000x128xf32, #tpu.memory_space<vmem>>) attributes {dimension_semantics = [#tpu.dimension_semantics<arbitrary>, #tpu.dimension_semantics<arbitrary>], iteration_bounds = array<i64: 5, 8>, scalar_prefetch = 0 : i64, scratch_operands = 0 : i64, tpu.core_type = #tpu.core_type<tc>, window_params = [{transform_indices = @transform_0, window_bounds = array<i64: 5000, 128>}, {transform_indices = @transform_1, window_bounds = array<i64: 5000, 128>}]} {
    %get3A = arith.constant 0 : index
    %get3A_0 = arith.constant 0 : index
    %get3A_1 = vector.load %arg2[%get3A, %get3A_0] : memref<5000x128xf32, #tpu.memory_space<vmem>>, vector<5000x128xf32>
    %swap3A = arith.constant 0 : index
    %swap3A_2 = arith.constant 0 : index
    %swap3A_3 = vector.load %arg3[%swap3A, %swap3A_2] : memref<5000x128xf32, #tpu.memory_space<vmem>>, vector<5000x128xf32>
    tpu.vector_store %arg3[%swap3A, %swap3A_2], %get3A_1 {strides = array<i32>} : memref<5000x128xf32, #tpu.memory_space<vmem>>, vector<5000x128xf32>,
    return
  }
  func.func @transform_0(%arg0: i32, %arg1: i32) -> (i32, i32) {
    %c0_i32 = arith.constant 0 : i32
    %c0_i32_0 = arith.constant 0 : i32
    return %arg0, %c0_i32 : i32, i32
  }
  func.func @transform_1(%arg0: i32, %arg1: i32) -> (i32, i32) {
    %mul3A = arith.constant 5 : i32
    %mul3A_0 = arith.muli %arg1, %mul3A : i32
    %add3A = arith.addi %mul3A_0, %arg0 : i32
    %c0_i32 = arith.constant 0 : i32
    %c0_i32_1 = arith.constant 0 : i32
    return %add3A, %c0_i32 : i32, i32
  }
}

module attributes {stable_mosaic.version = 14 : i64} {
  func.func @_val_body(%arg0: i32, %arg1: memref<1x1x1024xi32, #tpu.memory_space<vmem>>, %arg2: memref<1x1024x32xf32, #tpu.memory_space<vmem>>, %arg3: memref<1x1024x32xf32, #tpu.memory_space<vmem>>, %arg4: memref<1x1x1024xf32, #tpu.memory_space<vmem>>, %arg5: memref<1x1024x32xf32, #tpu.memory_space<vmem>>) attributes {dimension_semantics = [#tpu.dimension_semantics<arbitrary>], iteration_bounds = array<i64: 8>, scalar_prefetch = 0 : i64, scratch_operands = 0 : i64, tpu.core_type = #tpu.core_type<tc>, window_params = [{transform_indices = @transform_0, window_bounds = array<i64: 1, 1, 1024>}, {transform_indices = @transform_1, window_bounds = array<i64: 1, 1024, 32>}, {transform_indices = @transform_2, window_bounds = array<i64: 1, 1024, 32>}, {transform_indices = @transform_3, window_bounds = array<i64: 1, 1, 1024>}, {transform_indices = @transform_4, window_bounds = array<i64: 1, 1024, 32>}]} {
    %get3A = arith.constant 0 : index
    %get3A_0 = arith.constant 0 : index
    %get3A_1 = arith.constant 0 : index
    %get3A_2 = vector.load %arg1[%get3A, %get3A_0, %get3A_1] : memref<1x1x1024xi32, #tpu.memory_space<vmem>>, vector<1x1x1024xi32>
    %get3A_3 = vector.shape_cast %get3A_2 : vector<1x1x1024xi32> to vector<1024xi32>
    %broadcast_in_dim3A = vector.shape_cast %get3A_3 : vector<1024xi32> to vector<1024x1xi32>
    %broadcast_in_dim3A_4 = vector.shape_cast %get3A_3 : vector<1024xi32> to vector<1x1024xi32>
    %eq3A = vector.broadcast %broadcast_in_dim3A : vector<1024x1xi32> to vector<1024x1024xi32>
    %eq3A_5 = vector.broadcast %broadcast_in_dim3A_4 : vector<1x1024xi32> to vector<1024x1024xi32>
    %eq3A_6 = arith.cmpi eq, %eq3A, %eq3A_5 : vector<1024x1024xi32>
    %convert_element_type3A = arith.extui %eq3A_6 : vector<1024x1024xi1> to vector<1024x1024xi32>
    %convert_element_type3A_7 = arith.sitofp %convert_element_type3A : vector<1024x1024xi32> to vector<1024x1024xf32>
    %reduce_sum3A = arith.constant dense<0.000000e+00> : vector<1024xf32>
    %reduce_sum3A_8 = vector.multi_reduction <add>, %convert_element_type3A_7, %reduce_sum3A [1] : vector<1024x1024xf32> to vector<1024xf32>
    %get3A_9 = arith.constant 0 : index
    %get3A_10 = arith.constant 0 : index
    %get3A_11 = arith.constant 0 : index
    %get3A_12 = vector.load %arg2[%get3A_9, %get3A_10, %get3A_11] : memref<1x1024x32xf32, #tpu.memory_space<vmem>>, vector<1x1024x32xf32>
    %get3A_13 = vector.shape_cast %get3A_12 : vector<1x1024x32xf32> to vector<1024x32xf32>
    %dot_general3A = arith.constant dense<0.000000e+00> : vector<1024x32xf32>
    %dot_general3A_14 = tpu.matmul %convert_element_type3A_7, %get3A_13, %dot_general3A {dimension_numbers = #tpu.dot_dimension_numbers<[1], [0], [0], [1], [0, 0, 1, 1], [], []>, transpose_lhs_hint = false} : vector<1024x1024xf32>, vector<1024x32xf32>, vector<1024x32xf32> -> vector<1024x32xf32>
    %broadcast_in_dim3A_15 = vector.shape_cast %reduce_sum3A_8 : vector<1024xf32> to vector<1024x1xf32>
    %div3A = vector.broadcast %broadcast_in_dim3A_15 : vector<1024x1xf32> to vector<1024x32xf32>
    %div3A_16 = arith.divf %dot_general3A_14, %div3A : vector<1024x32xf32>
    %get3A_17 = arith.constant 0 : index
    %get3A_18 = arith.constant 0 : index
    %get3A_19 = arith.constant 0 : index
    %get3A_20 = vector.load %arg4[%get3A_17, %get3A_18, %get3A_19] : memref<1x1x1024xf32, #tpu.memory_space<vmem>>, vector<1x1x1024xf32>
    %get3A_21 = vector.shape_cast %get3A_20 : vector<1x1x1024xf32> to vector<1024xf32>
    %broadcast_in_dim3A_22 = vector.shape_cast %get3A_21 : vector<1024xf32> to vector<1024x1xf32>
    %sub3A = arith.constant 1.000000e+00 : f32
    %sub3A_23 = vector.broadcast %sub3A : f32 to vector<1024x1xf32>
    %sub3A_24 = arith.subf %sub3A_23, %broadcast_in_dim3A_22 : vector<1024x1xf32>
    %get3A_25 = arith.constant 0 : index
    %get3A_26 = arith.constant 0 : index
    %get3A_27 = arith.constant 0 : index
    %get3A_28 = vector.load %arg3[%get3A_25, %get3A_26, %get3A_27] : memref<1x1024x32xf32, #tpu.memory_space<vmem>>, vector<1x1024x32xf32>
    %get3A_29 = vector.shape_cast %get3A_28 : vector<1x1024x32xf32> to vector<1024x32xf32>
    %mul3A = vector.broadcast %sub3A_24 : vector<1024x1xf32> to vector<1024x32xf32>
    %mul3A_30 = arith.mulf %mul3A, %get3A_29 : vector<1024x32xf32>
    %mul3A_31 = vector.broadcast %broadcast_in_dim3A_22 : vector<1024x1xf32> to vector<1024x32xf32>
    %mul3A_32 = arith.mulf %mul3A_31, %div3A_16 : vector<1024x32xf32>
    %add3A = arith.addf %mul3A_30, %mul3A_32 : vector<1024x32xf32>
    %swap3A = arith.constant 0 : index
    %swap3A_33 = arith.constant 0 : index
    %swap3A_34 = arith.constant 0 : index
    %swap3A_35 = vector.load %arg5[%swap3A, %swap3A_33, %swap3A_34] : memref<1x1024x32xf32, #tpu.memory_space<vmem>>, vector<1x1024x32xf32>
    %swap3A_36 = vector.shape_cast %swap3A_35 : vector<1x1024x32xf32> to vector<1024x32xf32>
    %swap3A_37 = vector.shape_cast %add3A : vector<1024x32xf32> to vector<1x1024x32xf32>
    tpu.vector_store %arg5[%swap3A, %swap3A_33, %swap3A_34], %swap3A_37 {strides = array<i32>} : memref<1x1024x32xf32, #tpu.memory_space<vmem>>, vector<1x1024x32xf32>,
    return
  }
  func.func @transform_0(%arg0: i32) -> (i32, i32, i32) {
    %c0_i32 = arith.constant 0 : i32
    %c0_i32_0 = arith.constant 0 : i32
    %c0_i32_1 = arith.constant 0 : i32
    return %arg0, %c0_i32, %c0_i32_0 : i32, i32, i32
  }
  func.func @transform_1(%arg0: i32) -> (i32, i32, i32) {
    %c0_i32 = arith.constant 0 : i32
    %c0_i32_0 = arith.constant 0 : i32
    %c0_i32_1 = arith.constant 0 : i32
    return %arg0, %c0_i32, %c0_i32_0 : i32, i32, i32
  }
  func.func @transform_2(%arg0: i32) -> (i32, i32, i32) {
    %c0_i32 = arith.constant 0 : i32
    %c0_i32_0 = arith.constant 0 : i32
    %c0_i32_1 = arith.constant 0 : i32
    return %arg0, %c0_i32, %c0_i32_0 : i32, i32, i32
  }
  func.func @transform_3(%arg0: i32) -> (i32, i32, i32) {
    %c0_i32 = arith.constant 0 : i32
    %c0_i32_0 = arith.constant 0 : i32
    %c0_i32_1 = arith.constant 0 : i32
    return %arg0, %c0_i32, %c0_i32_0 : i32, i32, i32
  }
  func.func @transform_4(%arg0: i32) -> (i32, i32, i32) {
    %c0_i32 = arith.constant 0 : i32
    %c0_i32_0 = arith.constant 0 : i32
    %c0_i32_1 = arith.constant 0 : i32
    return %arg0, %c0_i32, %c0_i32_0 : i32, i32, i32
  }
}

</mosaic_0001>

<sc_bundles>
// kernel: kernel.6.cloned.1.call-start
scs
__scs_entry_jumppad:
0x0: {  	(pc) =	sbr.rel $0x88, $3  }
0x1: {  	(tag) =	ssettag $0x0;
	lr =	simm.s32 $0x1  }
0x2: {  	[smem:$0x3F9D] =	sst lr;
	_ =	strace $0xD0000000  }
0x3: {  	_ = 	snop  }
0x4: {  	_ = 	snop  }
0x5: {  	_ = 	snop  }
0x6: {  	_ = 	snop  }
0x7: {  	_ = 	snop  }
__scs_overlays_trampoline_lowered:
0x8: {  	[smem:$0x3FAC] =	sst s0  }
0x9: {  	[smem:$0x3FAD] =	sst s1  }
0xa: {  	[smem:$0x3FAE] =	sst s2  }
0xb: {  	[smem:$0x3FAF] =	sst s3  }
0xc: {  	[smem:$0x3FB0] =	sst s4  }
0xd: {  	[smem:$0x3FB1] =	sst s5  }
0xe: {  	[smem:$0x3FB2] =	sst s6  }
0xf: {  	[smem:$0x3FB3] =	sst s7  }
0x10: {  	[smem:$0x3FB4] =	sst s8  }
0x11: {  	[smem:$0x3FB5] =	sst s9;
	s0 =	simm.s32 @!p0 $0x0  }
0x12: {  	s1 =	sld [smem:$0x3F9B];
	s0 =	simm.s32 @p0 $0x1  }
0x13: {  	[smem:$0x3FB6] =	sst s0;
	s0 =	simm.s32 @!p1 $0x0  }
0x14: {  	s2 =	sld [smem:$0x3F9A];
	s0 =	simm.s32 @p1 $0x1  }
0x15: {  	[smem:$0x3FB7] =	sst s0;
	s0 =	simm.s32 @!p2 $0x0  }
0x16: {  	s3 =	sld [smem:$0x3FDB];
	s0 =	simm.s32 @p2 $0x1  }
0x17: {  	s4 =	simm.s32 $0x1BF5;
	[smem:$0x3FB9] =	sst s0  }
0x18: {  	s0 =	sld [smem:$0x3F9C];
	_ =	swait.ge [sflag:s4], $0x0  }
0x19: {  	s7 =	sld [smem:$0x3F9D]  }
0x1a: {  	s8 =	sadd.s32 $0xFFFFE003, lr  }
0x1b: {  	s9 =	sadd.s32 $0xFFFFFEF7, lr;
	s5 =	simm.s32 $0xFFFFFFFF;
	p2 =	slt.u32 s8, $0xFFFFF086  }
0x1c: {  	p1 =	slt.u32 s9, $0xF7A;
	s5 =	simm.s32 @!p2 $0x0  }
0x1d: {  	s5 =	simm.s32 @p1 $0x1;
	p0 =	seq.s32 s7, s2  }
0x1e: {  	s7 =	smul.u32 @!p0 $0xF7A, s2;
	p2 =	seq.s32 @!p0 s5, $0x0  }
0x1f: {  	s9 =	smul.u32 $0xF7A, s1;
	s8 =	simm.s32 @!p0 $0x1BF5;
	p2 =	por !p2, p0  }
0x20: {  	[sflag:s8] =	ssyncset.s32 @!p0 $0xFFFFF086;
	s6 =	sadd.s32 @!p0 s3, s7;
	s7 =	simm.s32 @!p0 $0x108  }
0x21: {  	s3 =	sadd.s32 s3, s9;
	s6 =	sadd.s32 @!p0 $0x88, s6;
	s7 =	simm.s32 @p2 $0x1082  }
0x22: {  	[simem:s7], [sflag:s8] =	dma.local @!p0 [hbm:s6], $0xF7A  }
0x23: {  	s9 =	sor.u32 $0xD0000000, s2;
	s6 =	simm.s32 $0x108;
	_ =	swait.ge @!p0 [sflag:s8], $0x0  }
0x24: {  	s3 =	sadd.s32 $0x88, s3;
	s6 =	simm.s32 @!p1 $0x1082;
	[sflag:s4] =	ssyncset.s32 $0xFFFFF086  }
0x25: {  	[simem:s6], [sflag:s4] =	dma.local [hbm:s3], $0xF7A  }
0x26: {  	[smem:$0x3F9D] =	sst s1;
	(tag) =	ssettag s2;
	_ =	strace s9  }
0x27: {  	s1 =	sld [smem:$0x3FAD]  }
0x28: {  	s2 =	sld [smem:$0x3FAE]  }
0x29: {  	s4 =	sld [smem:$0x3FB0]  }
0x2a: {  	p0 =	seq.s32 s5, $0x0;
	s5 =	sld [smem:$0x3FB1]  }
0x2b: {  	s6 =	sld [smem:$0x3FB2]  }
0x2c: {  	s7 =	sld [smem:$0x3FB3]  }
0x2d: {  	s3 =	simm.s32 $0x108;
	s8 =	sld [smem:$0x3FB4]  }
0x2e: {  	s3 =	simm.s32 @!p0 $0x1082;
	s9 =	sld [smem:$0x3FB5]  }
0x2f: {  	lr =	sadd.s32 s0, s3;
	s0 =	sld [smem:$0x3FAC]  }
0x30: {  	s3 =	sld [smem:$0x3FAF]  }
0x31: {  	[smem:$0x3FB8] =	sst s10  }
0x32: {  	s10 =	sld [smem:$0x3FB6];
	_ =	sdelay $0x3  }
0x33: {  	p0 =	seq.s32 s10, $0x1;
	s10 =	sld [smem:$0x3FB8];
	_ =	sdelay $0x3  }
0x34: {  	[smem:$0x3FB8] =	sst s10  }
0x35: {  	s10 =	sld [smem:$0x3FB7];
	_ =	sdelay $0x3  }
0x36: {  	p1 =	seq.s32 s10, $0x1;
	s10 =	sld [smem:$0x3FB8];
	_ =	sdelay $0x3  }
0x37: {  	[smem:$0x3FB8] =	sst s10  }
0x38: {  	s10 =	sld [smem:$0x3FB9]  }
0x39: {  	_ = 	snop;
	(pc) =	sbr.ind lr, $3  }
0x3a: {  	_ = 	snop  }
0x3b: {  	_ = 	snop  }
0x3c: {  	p2 =	seq.s32 s10, $0x1;
	s10 =	sld [smem:$0x3FB8]  }
0x3d: {  	_ =	shalt  }
0x3e: {  	_ =	shalt  }
0x3f: {  	_ =	shalt  }
0x40: {  	_ =	shalt  }
0x41: {  	_ =	shalt  }
0x42: {  	_ =	shalt  }
0x43: {  	_ =	shalt  }
0x44: {  	_ =	shalt  }
0x45: {  	_ =	shalt  }
0x46: {  	_ =	shalt  }
0x47: {  	_ =	shalt  }
0x48: {  	_ =	shalt  }
0x49: {  	_ =	shalt  }
0x4a: {  	_ =	shalt  }
0x4b: {  	_ =	shalt  }
0x4c: {  	_ =	shalt  }
0x4d: {  	_ =	shalt  }
0x4e: {  	_ =	shalt  }
0x4f: {  	_ =	shalt  }
0x50: {  	_ =	shalt  }
0x51: {  	_ =	shalt  }
0x52: {  	_ =	shalt  }
0x53: {  	_ =	shalt  }
0x54: {  	_ =	shalt  }
0x55: {  	_ =	shalt  }
0x56: {  	_ =	shalt  }
0x57: {  	_ =	shalt  }
0x58: {  	_ =	shalt  }
0x59: {  	_ =	shalt  }
0x5a: {  	_ =	shalt  }
0x5b: {  	_ =	shalt  }
0x5c: {  	_ =	shalt  }
0x5d: {  	_ =	shalt  }
0x5e: {  	_ =	shalt  }
0x5f: {  	_ =	shalt  }
0x60: {  	_ =	shalt  }
0x61: {  	_ =	shalt  }
0x62: {  	_ =	shalt  }
0x63: {  	_ =	shalt  }
0x64: {  	_ =	shalt  }
0x65: {  	_ =	shalt  }
0x66: {  	_ =	shalt  }
0x67: {  	_ =	shalt  }
0x68: {  	_ =	shalt  }
0x69: {  	_ =	shalt  }
0x6a: {  	_ =	shalt  }
0x6b: {  	_ =	shalt  }
0x6c: {  	_ =	shalt  }
0x6d: {  	_ =	shalt  }
0x6e: {  	_ =	shalt  }
0x6f: {  	_ =	shalt  }
0x70: {  	_ =	shalt  }
0x71: {  	_ =	shalt  }
0x72: {  	_ =	shalt  }
0x73: {  	_ =	shalt  }
0x74: {  	_ =	shalt  }
0x75: {  	_ =	shalt  }
0x76: {  	_ =	shalt  }
0x77: {  	_ =	shalt  }
0x78: {  	_ =	shalt  }
0x79: {  	_ =	shalt  }
0x7a: {  	_ =	shalt  }
0x7b: {  	_ =	shalt  }
0x7c: {  	_ =	shalt  }
0x7d: {  	_ =	shalt  }
0x7e: {  	_ =	shalt  }
0x7f: {  	_ =	shalt  }
0x80: {  	_ =	shalt  }
0x81: {  	_ =	shalt  }
0x82: {  	_ =	shalt  }
0x83: {  	_ =	shalt  }
0x84: {  	_ =	shalt  }
0x85: {  	_ =	shalt  }
0x86: {  	_ =	shalt  }
0x87: {  	_ =	shalt  }
.Lfunc_end0:
.L_simem_size_0:
called_computation.1_lowered:
.L_overlay_start_0:
0x88: {  	s2 =	sld [smem:$0x3FD9]  }
0x89: {  	s3 =	sld [smem:$0x3FFE];
	_ =	sdelay $0x1  }
0x8a: {  	s1 =	srdreg.scid  }
0x8b: {  	s0 =	sand.u32 $0x1, s1  }
0x8c: {  	s17 =	sshll.u32 s0, $0xA;
	s2 =	sadd.s32 s3, s2  }
0x8d: {  	s2 =	sadd.s32 s2, s17  }
0x8e: {  	[smem:$0x3FC4] =	sst s2  }
0x8f: {  	_ = 	snop  }
0x90: {  	s2 =	sld [smem:$0x3FC9];
	(tm) =	ssettm $0x1  }
0x91: {  	s18 =	sld [smem:$0x3FFB];
	_ =	sdelay $0x3  }
0x92: {  	_ =	strace s18  }
0x93: {  	s3 =	sld [smem:$0x3FFC];
	_ =	sdelay $0x3  }
0x94: {  	_ =	strace s3  }
0x95: {  	s3 =	sld [smem:$0x3FFD];
	_ =	sdelay $0x3  }
0x96: {  	_ =	strace s3  }
0x97: {  	_ =	strace $0x8FFFFFFF  }
0x98: {  	s19 =	sld [smem:$0x3FDB];
	_ =	sdelay $0x1  }
0x99: {  	s4 =	simm.s32 $_scs_section_size  }
0x9a: {  	s5 =	simm.s32 $_size__tile_overlayer_lowered;
	s6 =	simm.s32 $_tile_overlayer_lowered  }
0x9b: {  	s22 =	simm.s32 $0x1BFF;
	s21 =	sshll.u32 s6, $0x1;
	s3 =	sadd.s32 s4, s19  }
0x9c: {  	s7 =	simm.s32 $0x0;
	s20 =	sshll.u32 s5, $0x1;
	s5 =	sadd.s32 s21, s3  }
0x9d: {  	[timem:s7], [sflag:s22] =	dma.local [hbm:s5], s20  }
0x9e: {  	_ =	swait.ge [sflag:s22], s20  }
0x9f: {  	s4 =	ssub.s32 $0x0, s20;
	[sflag:s22] =	ssyncset.done $0x0  }
0xa0: {  	[sflag:s22] =	ssyncadd.s32 s4;
	_ =	sdelay $0x1  }
0xa1: {  	s23 =	simm.s32 $0x1B8B  }
0xa2: {  	_ =	swait.ge [sflag:s23], $0x1  }
0xa3: {  	[sflag:s23] =	ssyncset.done $0x0  }
0xa4: {  	s25 =	simm.s32 $0x1B8E;
	s24 =	sld [smem:$0x3FFE];
	[sflag:s23] =	ssyncadd.s32 $0xFFFFFFFF  }
0xa5: {  	s26 =	simm.s32 $execute0_lowered;
	[smem:$0x3FD2] =	sst s25  }
0xa6: {  	s5 =	sshll.u32 s26, $0x1;
	_ =	strace $0x80000046;
	[dreg:$0x1] =	wrdreg $0xFFFFFFFF  }
0xa7: {  	s28 =	simm.s32 $_size_execute0_lowered;
	s3 =	sadd.s32 s3, s5;
	[dreg:$0x0] =	wrdreg $0x0  }
0xa8: {  	s5 =	sshll.u32 s28, $0x1;
	[dreg:$0x2] =	wrdreg s3  }
0xa9: {  	[dreg:$0x3] =	wrdreg s5  }
0xaa: {  	[dreg:$0x4] =	wrdreg $0xC0  }
0xab: {  	_ =	task [dreg:s7], $0x5FFFF  }
0xac: {  	[dreg:$0x1] =	wrdreg $0xFFFFFFFF  }
0xad: {  	[dreg:$0x0] =	wrdreg $0x60  }
0xae: {  	[dreg:$0x2] =	wrdreg s2  }
0xaf: {  	[dreg:$0x3] =	wrdreg s24  }
0xb0: {  	[dreg:$0x4] =	wrdreg $0x9  }
0xb1: {  	_ =	task.clear_ibuf [dreg:s7], $0x5FFFF;
	_ =	strace $0x90000046  }
0xb2: {  	s29 =	simm.s32 $0x9;
	_ =	strace $0x80000048  }
0xb3: {  	_ =	swait.ge [sflag:s29], $0x1  }
0xb4: {  	[sflag:s29] =	ssyncadd.s32 $0xFFFFFFFF  }
0xb5: {  	_ =	strace $0x90000048  }
0xb6: {  	_ =	sfence  }
0xb7: {  	s30 =	sld [smem:$0x0];
	_ =	sdelay $0x2  }
0xb8: {  	s31 =	sshll.u32 s1, $0xD;
	s1 =	sshrl.u32 s1, $0x2  }
0xb9: {  	s3 =	sand.u32 $0x4000, s31;
	s1 =	sadd.s32 s1, s30  }
0xba: {  	s0 =	sor.u32 s3, s0;
	s1 =	sshll.u32 s1, $0x11  }
0xbb: {  	s0 =	sor.u32 s1, s0  }
0xbc: {  	s0 =	sadd.s32 $0x8F2B, s0  }
0xbd: {  	[sflag:s0] =	ssyncadd.remote.s32 $0x1  }
0xbe: {  	_ =	sfence.sel $0xFFFF  }
0xbf: {  	[dreg:$0x0] =	wrdreg $0xFFFFFFFF;
	(pc) =	sbr.abs _section_cstart, $3  }
0xc0: {  	[dreg:$0x1] =	wrdreg $0xFFFFFFFF  }
0xc1: {  	_ =	task.clear_ibuf [dreg:s7], $0x2FFFF;
	_ =	strace $0x9FFFFFFF  }
0xc2: {  	(tm) =	ssettm $0x7FFFFFFF  }
0xc3: {  	_ =	shalt  }
tec
execute0_lowered:
.L_overlay_start_1:
0x0: {  	(tag) =	ssettag $0x1  }
0x1: {  	s3 =	rddreg [dreg:$0x0]  }
0x2: {  	s1 =	srdreg.scid;
	s0 =	stileid.u32  }
0x3: {  	s13 =	rddreg [dreg:$0x1];
	s12 =	sand.u32 $0x1, s1;
	s4 =	sshll.u32 s0, $0x1  }
0x4: {  	s2 =	simm.s32 $0x0;
	s1 =	rddreg [dreg:$0x2];
	s15 =	sor.u32 s12, s4  }
0x5: {  	[smem:$0x7FF] =	sst s2;
	s14 =	sshll.u32 s15, $0x5  }
0x6: {  	_ =	strace $0x80000047;
	s4 =	sadd.s32 s3, s14;
	s3 =	simm.s32 $0x2  }
0x7: {  	[tilespmem:s2], [sflag:$0x2] =	stream.linear.gather [hbm4b:s4+s2], $0x100, $0x38;
	[tilespmem:$0x1A8A0] =	vst v63  }
0x8: {  	_ =	swait.ge [sflag:s3], $0x100  }
0x9: {  	[sflag:s3] =	ssyncset.done $0x0  }
0xa: {  	s6 =	simm.s32 $0x2200;
	s5 =	sadd.s32 $0x63000, s13;
	[sflag:s3] =	ssyncadd.s32 $0xFFFFFF00  }
0xb: {  	[tilespmem:s6], [sflag:$0x1] =	stream.linear.gather [hbm4b:s5+s2], $0x186A0, $0x38;
	[tilespmem:$0x1A8A0] =	vst v63  }
0xc: {  	s8 =	simm.s32 $0x80;
	s9 =	simm.s32 $0x100;
	s7 =	sadd.s32 $0x1400, s13  }
0xd: {  	[tilespmem:s9], [sflag:$0x1] =	stream.indirect.gather [hbm4b:s7+s8], $0x20, s2, s8, $0xb8;
	[tilespmem:$0x1A8A0] =	vst v63  }
0xe: {  	s10 =	simm.s32 $0x1100;
	s11 =	simm.s32 $0x1  }
0xf: {  	[tilespmem:s10], [sflag:$0x1] =	stream.indirect.gather [hbm4b:s7+s8], $0x20, s8, s8, $0xb8;
	[tilespmem:$0x1A8A0] =	vst v63  }
0x10: {  	_ =	swait.ge [sflag:s11], $0x186A0  }
0x11: {  	[sflag:s11] =	ssyncset.done $0x0  }
0x12: {  	[sflag:s11] =	ssyncadd.s32 $0xFFFE7960  }
0x13: {  	v0 =	vld [tilespmem:$0x0];
	_ =	sdelay $0x5  }
0x14: {  	v1 =	vld [tilespmem:$0x10];
	_ =	sdelay $0x1  }
0x15: {  	v0 =	vld.idx.msk [tilespmem:v0+s6+$0x0], $0xffff;
	_ =	sdelay $0x3  }
0x16: {  	v2 =	vld [tilespmem:$0x20]  }
0x17: {  	[tilespmem:$0x2100] =	vst v0  }
0x18: {  	v0 =	vld.idx.msk [tilespmem:v1+s6+$0x0], $0xffff;
	_ =	sdelay $0x3  }
0x19: {  	v51 =	vld [tilespmem:$0x30]  }
0x1a: {  	[tilespmem:$0x2110] =	vst v0  }
0x1b: {  	v0 =	vld.idx.msk [tilespmem:v2+s6+$0x0], $0xffff;
	_ =	sdelay $0x3  }
0x1c: {  	v52 =	vld [tilespmem:$0x40]  }
0x1d: {  	[tilespmem:$0x2120] =	vst v0  }
0x1e: {  	v0 =	vld.idx.msk [tilespmem:v51+s6+$0x0], $0xffff;
	_ =	sdelay $0x3  }
0x1f: {  	v53 =	vld [tilespmem:$0x50]  }
0x20: {  	[tilespmem:$0x2130] =	vst v0  }
0x21: {  	v0 =	vld.idx.msk [tilespmem:v52+s6+$0x0], $0xffff;
	_ =	sdelay $0x3  }
0x22: {  	v54 =	vld [tilespmem:$0x60]  }
0x23: {  	[tilespmem:$0x2140] =	vst v0  }
0x24: {  	v0 =	vld.idx.msk [tilespmem:v53+s6+$0x0], $0xffff;
	_ =	sdelay $0x3  }
0x25: {  	v55 =	vld [tilespmem:$0x70]  }
0x26: {  	[tilespmem:$0x2150] =	vst v0  }
0x27: {  	v0 =	vld.idx.msk [tilespmem:v54+s6+$0x0], $0xffff;
	_ =	sdelay $0x3  }
0x28: {  	v56 =	vld [tilespmem:$0x80]  }
0x29: {  	[tilespmem:$0x2160] =	vst v0  }
0x2a: {  	v0 =	vld.idx.msk [tilespmem:v55+s6+$0x0], $0xffff;
	_ =	sdelay $0x3  }
0x2b: {  	v57 =	vld [tilespmem:$0x90]  }
0x2c: {  	[tilespmem:$0x2170] =	vst v0  }
0x2d: {  	v0 =	vld.idx.msk [tilespmem:v56+s6+$0x0], $0xffff;
	_ =	sdelay $0x3  }
0x2e: {  	v58 =	vld [tilespmem:$0xA0]  }
0x2f: {  	[tilespmem:$0x2180] =	vst v0  }
0x30: {  	v0 =	vld.idx.msk [tilespmem:v57+s6+$0x0], $0xffff;
	_ =	sdelay $0x3  }
0x31: {  	v59 =	vld [tilespmem:$0xB0]  }
0x32: {  	[tilespmem:$0x2190] =	vst v0  }
0x33: {  	v0 =	vld.idx.msk [tilespmem:v58+s6+$0x0], $0xffff;
	_ =	sdelay $0x3  }
0x34: {  	v60 =	vld [tilespmem:$0xC0]  }
0x35: {  	[tilespmem:$0x21A0] =	vst v0  }
0x36: {  	v0 =	vld.idx.msk [tilespmem:v59+s6+$0x0], $0xffff;
	_ =	sdelay $0x3  }
0x37: {  	v61 =	vld [tilespmem:$0xD0]  }
0x38: {  	[tilespmem:$0x21B0] =	vst v0  }
0x39: {  	v0 =	vld.idx.msk [tilespmem:v60+s6+$0x0], $0xffff;
	_ =	sdelay $0x3  }
0x3a: {  	v62 =	vld [tilespmem:$0xE0]  }
0x3b: {  	[tilespmem:$0x21C0] =	vst v0  }
0x3c: {  	v0 =	vld.idx.msk [tilespmem:v61+s6+$0x0], $0xffff;
	_ =	sdelay $0x3  }
0x3d: {  	v63 =	vld [tilespmem:$0xF0]  }
0x3e: {  	[tilespmem:$0x21D0] =	vst v0  }
0x3f: {  	v0 =	vld.idx.msk [tilespmem:v62+s6+$0x0], $0xffff;
	_ =	sdelay $0x4  }
0x40: {  	[tilespmem:$0x21E0] =	vst v0  }
0x41: {  	v0 =	vld.idx.msk [tilespmem:v63+s6+$0x0], $0xffff;
	_ =	sdelay $0x4  }
0x42: {  	[tilespmem:$0x21F0] =	vst v0  }
0x43: {  	_ =	swait.ge [sflag:s11], $0x1000  }
0x44: {  	[sflag:s11] =	ssyncset.done $0x0  }
0x45: {  	s16 =	ssub.s32 $0x2, s12;
	s15 =	sshll.u32 s15, $0xA;
	[sflag:s11] =	ssyncadd.s32 $0xFFFFF000  }
0x46: {  	s30 =	sshrl.u32 s16, $0x1;
	s15 =	sadd.s32 s15, s13;
	_ =	swait.ge [sflag:s11], $0x1000  }
0x47: {  	s13 =	sadd.s32 s14, s13;
	s14 =	ssub.s32 s16, s30;
	[sflag:s11] =	ssyncset.done $0x0  }
0x48: {  	s12 =	sadd.s32 $0x66200, s15;
	s31 =	smax.u32 s14, $0x1;
	[sflag:s11] =	ssyncadd.s32 $0xFFFFF000  }
0x49: {  	[hbm4b:s12+s2] =	stream.linear.scatter [tilespmem:s9], [sflag:$0x2], $0x2000, $0x38;
	[tilespmem:$0x1A8A0] =	vst v63  }
0x4a: {  	p0 =	sne.s32 s31, $0x1;
	_ =	swait.ge [sflag:s3], $0x2000  }
.Ltmp0:
0x4b: {  	[sflag:s3] =	ssyncset.done $0x0;
	(pc) =	sbr.rel @!p0 .LBB2_2-.Ltmp0, $4  }
0x4c: {  	s13 =	sadd.s32 $0x6E200, s13;
	s14 =	simm.s32 $0x2100;
	[sflag:s3] =	ssyncadd.s32 $0xFFFFE000  }
0x4d: {  	[hbm4b:s13+s2] =	stream.linear.scatter [tilespmem:s14], [sflag:$0x2], $0x100, $0x38;
	[tilespmem:$0x1A8A0] =	vst v63  }
0x4e: {  	_ =	swait.ge [sflag:s3], $0x100  }
0x4f: {  	s15 =	sadd.s32 $0xFFFFFFFF, s31;
	[sflag:s3] =	ssyncset.done $0x0  }
.LBB2_1:
0x50: {  	p0 =	sne.s32 s15, $0x1;
	s15 =	sadd.s32 $0xFFFFFFFF, s15;
	[sflag:s3] =	ssyncadd.s32 $0xFFFFFF00  }
0x51: {  	[tilespmem:s2], [sflag:$0x2] =	stream.linear.gather [hbm4b:s4+s2], $0x100, $0x38;
	[tilespmem:$0x1A8A0] =	vst v63  }
0x52: {  	_ =	swait.ge [sflag:s3], $0x100  }
0x53: {  	[sflag:s3] =	ssyncset.done $0x0  }
0x54: {  	[sflag:s3] =	ssyncadd.s32 $0xFFFFFF00  }
0x55: {  	[tilespmem:s6], [sflag:$0x1] =	stream.linear.gather [hbm4b:s5+s2], $0x186A0, $0x38;
	[tilespmem:$0x1A8A0] =	vst v63  }
0x56: {  	_ = 	snop  }
0x57: {  	[tilespmem:s9], [sflag:$0x1] =	stream.indirect.gather [hbm4b:s7+s8], $0x20, s2, s8, $0xb8;
	[tilespmem:$0x1A8A0] =	vst v63  }
0x58: {  	_ = 	snop  }
0x59: {  	[tilespmem:s10], [sflag:$0x1] =	stream.indirect.gather [hbm4b:s7+s8], $0x20, s8, s8, $0xb8;
	[tilespmem:$0x1A8A0] =	vst v63  }
0x5a: {  	_ =	swait.ge [sflag:s11], $0x186A0  }
0x5b: {  	[sflag:s11] =	ssyncset.done $0x0  }
0x5c: {  	[sflag:s11] =	ssyncadd.s32 $0xFFFE7960  }
0x5d: {  	v0 =	vld [tilespmem:$0x0]  }
0x5e: {  	v1 =	vld [tilespmem:$0x10]  }
0x5f: {  	v2 =	vld [tilespmem:$0x20]  }
0x60: {  	v3 =	vld [tilespmem:$0x30]  }
0x61: {  	v4 =	vld [tilespmem:$0x40]  }
0x62: {  	v5 =	vld [tilespmem:$0x50]  }
0x63: {  	v6 =	vld [tilespmem:$0x60]  }
0x64: {  	v7 =	vld [tilespmem:$0x70]  }
0x65: {  	v0 =	vld.idx.msk [tilespmem:v0+s6+$0x0], $0xffff  }
0x66: {  	v8 =	vld [tilespmem:$0x80]  }
0x67: {  	v9 =	vld [tilespmem:$0x90]  }
0x68: {  	v10 =	vld [tilespmem:$0xA0]  }
0x69: {  	v11 =	vld [tilespmem:$0xB0]  }
0x6a: {  	v12 =	vld [tilespmem:$0xC0]  }
0x6b: {  	[tilespmem:$0x2100] =	vst v0;
	v0 =	vld [tilespmem:$0xD0]  }
0x6c: {  	v1 =	vld.idx.msk [tilespmem:v1+s6+$0x0], $0xffff  }
0x6d: {  	v13 =	vld [tilespmem:$0xE0]  }
0x6e: {  	v14 =	vld [tilespmem:$0xF0];
	_ =	sdelay $0x3  }
0x6f: {  	[tilespmem:$0x2110] =	vst v1  }
0x70: {  	v1 =	vld.idx.msk [tilespmem:v2+s6+$0x0], $0xffff;
	_ =	sdelay $0x5  }
0x71: {  	[tilespmem:$0x2120] =	vst v1  }
0x72: {  	v1 =	vld.idx.msk [tilespmem:v3+s6+$0x0], $0xffff;
	_ =	sdelay $0x5  }
0x73: {  	[tilespmem:$0x2130] =	vst v1  }
0x74: {  	v1 =	vld.idx.msk [tilespmem:v4+s6+$0x0], $0xffff;
	_ =	sdelay $0x5  }
0x75: {  	[tilespmem:$0x2140] =	vst v1  }
0x76: {  	v1 =	vld.idx.msk [tilespmem:v5+s6+$0x0], $0xffff;
	_ =	sdelay $0x5  }
0x77: {  	[tilespmem:$0x2150] =	vst v1  }
0x78: {  	v1 =	vld.idx.msk [tilespmem:v6+s6+$0x0], $0xffff;
	_ =	sdelay $0x5  }
0x79: {  	[tilespmem:$0x2160] =	vst v1  }
0x7a: {  	v1 =	vld.idx.msk [tilespmem:v7+s6+$0x0], $0xffff;
	_ =	sdelay $0x5  }
0x7b: {  	[tilespmem:$0x2170] =	vst v1  }
0x7c: {  	v1 =	vld.idx.msk [tilespmem:v8+s6+$0x0], $0xffff;
	_ =	sdelay $0x5  }
0x7d: {  	[tilespmem:$0x2180] =	vst v1  }
0x7e: {  	v1 =	vld.idx.msk [tilespmem:v9+s6+$0x0], $0xffff;
	_ =	sdelay $0x5  }
0x7f: {  	[tilespmem:$0x2190] =	vst v1  }
0x80: {  	v1 =	vld.idx.msk [tilespmem:v10+s6+$0x0], $0xffff;
	_ =	sdelay $0x5  }
0x81: {  	[tilespmem:$0x21A0] =	vst v1  }
0x82: {  	v1 =	vld.idx.msk [tilespmem:v11+s6+$0x0], $0xffff;
	_ =	sdelay $0x5  }
0x83: {  	[tilespmem:$0x21B0] =	vst v1  }
0x84: {  	v1 =	vld.idx.msk [tilespmem:v12+s6+$0x0], $0xffff;
	_ =	sdelay $0x5  }
0x85: {  	[tilespmem:$0x21C0] =	vst v1  }
0x86: {  	v0 =	vld.idx.msk [tilespmem:v0+s6+$0x0], $0xffff;
	_ =	sdelay $0x5  }
0x87: {  	[tilespmem:$0x21D0] =	vst v0  }
0x88: {  	v0 =	vld.idx.msk [tilespmem:v13+s6+$0x0], $0xffff;
	_ =	sdelay $0x5  }
0x89: {  	[tilespmem:$0x21E0] =	vst v0  }
0x8a: {  	v0 =	vld.idx.msk [tilespmem:v14+s6+$0x0], $0xffff;
	_ =	sdelay $0x5  }
0x8b: {  	[tilespmem:$0x21F0] =	vst v0  }
0x8c: {  	_ =	swait.ge [sflag:s11], $0x1000  }
0x8d: {  	[sflag:s11] =	ssyncset.done $0x0  }
0x8e: {  	[sflag:s11] =	ssyncadd.s32 $0xFFFFF000  }
0x8f: {  	_ =	swait.ge [sflag:s11], $0x1000  }
0x90: {  	[sflag:s11] =	ssyncset.done $0x0  }
0x91: {  	[sflag:s11] =	ssyncadd.s32 $0xFFFFF000  }
0x92: {  	[hbm4b:s12+s2] =	stream.linear.scatter [tilespmem:s9], [sflag:$0x2], $0x2000, $0x38;
	[tilespmem:$0x1A8A0] =	vst v63  }
0x93: {  	_ =	swait.ge [sflag:s3], $0x2000  }
.Ltmp1:
0x94: {  	[sflag:s3] =	ssyncset.done $0x0;
	(pc) =	sbr.rel @p0 .LBB2_1-.Ltmp1, $4  }
0x95: {  	[sflag:s3] =	ssyncadd.s32 $0xFFFFE000  }
0x96: {  	[hbm4b:s13+s2] =	stream.linear.scatter [tilespmem:s14], [sflag:$0x2], $0x100, $0x38;
	[tilespmem:$0x1A8A0] =	vst v63  }
0x97: {  	_ =	swait.ge [sflag:s3], $0x100  }
0x98: {  	[sflag:s3] =	ssyncset.done $0x0  }
.LBB2_2:
0x99: {  	[sflag:s3] =	ssyncadd.s32 $0xFFFFFF00  }
0x9a: {  	_ =	sfence.sel $0x180000  }
0x9b: {  	[bflag:$0x0] =	sbarrier.arrive $0xFFFF  }
0x9c: {  	p0 =	sne.s32 s0, $0x0;
	_ =	strace $0x90000047  }
0x9d: {  	s0 =	sadd.s32 @!p0 $0x100000, s1;
	[bflag:$0x2] =	sbarrier.arrive $0xFFFF  }
0x9e: {  	[sflag:s0] =	ssyncadd.tile.s32 @!p0 $0x1;
	_ =	shalt  }
.Lfunc_end2:
_tile_overlayer_lowered:
.L_overlay_start_2:
0x9f: {  	(tag) =	ssettag $0x2  }
0xa0: {  	s0 =	rddreg [dreg:$0x0];
	s2 =	stileid.u32  }
0xa1: {  	s1 =	rddreg [dreg:$0x1];
	p0 =	sne.s32 s2, $0x0  }
0xa2: {  	s3 =	rddreg [dreg:$0x2];
	[bflag:$0x3] =	sbarrier.arrive $0xFFFF;
	s2 =	simm.s32 @!p0 $0x1C02  }
0xa3: {  	[timem:s3], [sflag:s2] =	dma.local @!p0 [hbm:s0], s1  }
0xa4: {  	s0 =	simm.s32 @!p0 $0x2  }
0xa5: {  	_ =	swait.ge @!p0 [sflag:s0], s1  }
0xa6: {  	s1 =	ssub.s32 @!p0 $0x0, s1;
	[sflag:s0] =	ssyncset.done @!p0 $0x0  }
0xa7: {  	[sflag:s0] =	ssyncadd.s32 @!p0 s1  }
0xa8: {  	[bflag:$0x3] =	sbarrier.arrive $0xFFFF  }
0xa9: {  	_ =	shalt  }

// kernel: kernel.9.cloned.1.call-start
scs
__scs_entry_jumppad:
0x0: {  	(pc) =	sbr.rel $0x88, $3  }
0x1: {  	(tag) =	ssettag $0x0;
	lr =	simm.s32 $0x1  }
0x2: {  	[smem:$0x3F9D] =	sst lr;
	_ =	strace $0xD0000000  }
0x3: {  	_ = 	snop  }
0x4: {  	_ = 	snop  }
0x5: {  	_ = 	snop  }
0x6: {  	_ = 	snop  }
0x7: {  	_ = 	snop  }
__scs_overlays_trampoline_lowered:
0x8: {  	[smem:$0x3FAC] =	sst s0  }
0x9: {  	[smem:$0x3FAD] =	sst s1  }
0xa: {  	[smem:$0x3FAE] =	sst s2  }
0xb: {  	[smem:$0x3FAF] =	sst s3  }
0xc: {  	[smem:$0x3FB0] =	sst s4  }
0xd: {  	[smem:$0x3FB1] =	sst s5  }
0xe: {  	[smem:$0x3FB2] =	sst s6  }
0xf: {  	[smem:$0x3FB3] =	sst s7  }
0x10: {  	[smem:$0x3FB4] =	sst s8  }
0x11: {  	[smem:$0x3FB5] =	sst s9;
	s0 =	simm.s32 @!p0 $0x0  }
0x12: {  	s1 =	sld [smem:$0x3F9B];
	s0 =	simm.s32 @p0 $0x1  }
0x13: {  	[smem:$0x3FB6] =	sst s0;
	s0 =	simm.s32 @!p1 $0x0  }
0x14: {  	s2 =	sld [smem:$0x3F9A];
	s0 =	simm.s32 @p1 $0x1  }
0x15: {  	[smem:$0x3FB7] =	sst s0;
	s0 =	simm.s32 @!p2 $0x0  }
0x16: {  	s3 =	sld [smem:$0x3FDB];
	s0 =	simm.s32 @p2 $0x1  }
0x17: {  	s4 =	simm.s32 $0x1BF5;
	[smem:$0x3FB9] =	sst s0  }
0x18: {  	s0 =	sld [smem:$0x3F9C];
	_ =	swait.ge [sflag:s4], $0x0  }
0x19: {  	s7 =	sld [smem:$0x3F9D]  }
0x1a: {  	s8 =	sadd.s32 $0xFFFFE003, lr  }
0x1b: {  	s9 =	sadd.s32 $0xFFFFFEF7, lr;
	s5 =	simm.s32 $0xFFFFFFFF;
	p2 =	slt.u32 s8, $0xFFFFF086  }
0x1c: {  	p1 =	slt.u32 s9, $0xF7A;
	s5 =	simm.s32 @!p2 $0x0  }
0x1d: {  	s5 =	simm.s32 @p1 $0x1;
	p0 =	seq.s32 s7, s2  }
0x1e: {  	s7 =	smul.u32 @!p0 $0xF7A, s2;
	p2 =	seq.s32 @!p0 s5, $0x0  }
0x1f: {  	s9 =	smul.u32 $0xF7A, s1;
	s8 =	simm.s32 @!p0 $0x1BF5;
	p2 =	por !p2, p0  }
0x20: {  	[sflag:s8] =	ssyncset.s32 @!p0 $0xFFFFF086;
	s6 =	sadd.s32 @!p0 s3, s7;
	s7 =	simm.s32 @!p0 $0x108  }
0x21: {  	s3 =	sadd.s32 s3, s9;
	s6 =	sadd.s32 @!p0 $0x88, s6;
	s7 =	simm.s32 @p2 $0x1082  }
0x22: {  	[simem:s7], [sflag:s8] =	dma.local @!p0 [hbm:s6], $0xF7A  }
0x23: {  	s9 =	sor.u32 $0xD0000000, s2;
	s6 =	simm.s32 $0x108;
	_ =	swait.ge @!p0 [sflag:s8], $0x0  }
0x24: {  	s3 =	sadd.s32 $0x88, s3;
	s6 =	simm.s32 @!p1 $0x1082;
	[sflag:s4] =	ssyncset.s32 $0xFFFFF086  }
0x25: {  	[simem:s6], [sflag:s4] =	dma.local [hbm:s3], $0xF7A  }
0x26: {  	[smem:$0x3F9D] =	sst s1;
	(tag) =	ssettag s2;
	_ =	strace s9  }
0x27: {  	s1 =	sld [smem:$0x3FAD]  }
0x28: {  	s2 =	sld [smem:$0x3FAE]  }
0x29: {  	s4 =	sld [smem:$0x3FB0]  }
0x2a: {  	p0 =	seq.s32 s5, $0x0;
	s5 =	sld [smem:$0x3FB1]  }
0x2b: {  	s6 =	sld [smem:$0x3FB2]  }
0x2c: {  	s7 =	sld [smem:$0x3FB3]  }
0x2d: {  	s3 =	simm.s32 $0x108;
	s8 =	sld [smem:$0x3FB4]  }
0x2e: {  	s3 =	simm.s32 @!p0 $0x1082;
	s9 =	sld [smem:$0x3FB5]  }
0x2f: {  	lr =	sadd.s32 s0, s3;
	s0 =	sld [smem:$0x3FAC]  }
0x30: {  	s3 =	sld [smem:$0x3FAF]  }
0x31: {  	[smem:$0x3FB8] =	sst s10  }
0x32: {  	s10 =	sld [smem:$0x3FB6];
	_ =	sdelay $0x3  }
0x33: {  	p0 =	seq.s32 s10, $0x1;
	s10 =	sld [smem:$0x3FB8];
	_ =	sdelay $0x3  }
0x34: {  	[smem:$0x3FB8] =	sst s10  }
0x35: {  	s10 =	sld [smem:$0x3FB7];
	_ =	sdelay $0x3  }
0x36: {  	p1 =	seq.s32 s10, $0x1;
	s10 =	sld [smem:$0x3FB8];
	_ =	sdelay $0x3  }
0x37: {  	[smem:$0x3FB8] =	sst s10  }
0x38: {  	s10 =	sld [smem:$0x3FB9]  }
0x39: {  	_ = 	snop;
	(pc) =	sbr.ind lr, $3  }
0x3a: {  	_ = 	snop  }
0x3b: {  	_ = 	snop  }
0x3c: {  	p2 =	seq.s32 s10, $0x1;
	s10 =	sld [smem:$0x3FB8]  }
0x3d: {  	_ =	shalt  }
0x3e: {  	_ =	shalt  }
0x3f: {  	_ =	shalt  }
0x40: {  	_ =	shalt  }
0x41: {  	_ =	shalt  }
0x42: {  	_ =	shalt  }
0x43: {  	_ =	shalt  }
0x44: {  	_ =	shalt  }
0x45: {  	_ =	shalt  }
0x46: {  	_ =	shalt  }
0x47: {  	_ =	shalt  }
0x48: {  	_ =	shalt  }
0x49: {  	_ =	shalt  }
0x4a: {  	_ =	shalt  }
0x4b: {  	_ =	shalt  }
0x4c: {  	_ =	shalt  }
0x4d: {  	_ =	shalt  }
0x4e: {  	_ =	shalt  }
0x4f: {  	_ =	shalt  }
0x50: {  	_ =	shalt  }
0x51: {  	_ =	shalt  }
0x52: {  	_ =	shalt  }
0x53: {  	_ =	shalt  }
0x54: {  	_ =	shalt  }
0x55: {  	_ =	shalt  }
0x56: {  	_ =	shalt  }
0x57: {  	_ =	shalt  }
0x58: {  	_ =	shalt  }
0x59: {  	_ =	shalt  }
0x5a: {  	_ =	shalt  }
0x5b: {  	_ =	shalt  }
0x5c: {  	_ =	shalt  }
0x5d: {  	_ =	shalt  }
0x5e: {  	_ =	shalt  }
0x5f: {  	_ =	shalt  }
0x60: {  	_ =	shalt  }
0x61: {  	_ =	shalt  }
0x62: {  	_ =	shalt  }
0x63: {  	_ =	shalt  }
0x64: {  	_ =	shalt  }
0x65: {  	_ =	shalt  }
0x66: {  	_ =	shalt  }
0x67: {  	_ =	shalt  }
0x68: {  	_ =	shalt  }
0x69: {  	_ =	shalt  }
0x6a: {  	_ =	shalt  }
0x6b: {  	_ =	shalt  }
0x6c: {  	_ =	shalt  }
0x6d: {  	_ =	shalt  }
0x6e: {  	_ =	shalt  }
0x6f: {  	_ =	shalt  }
0x70: {  	_ =	shalt  }
0x71: {  	_ =	shalt  }
0x72: {  	_ =	shalt  }
0x73: {  	_ =	shalt  }
0x74: {  	_ =	shalt  }
0x75: {  	_ =	shalt  }
0x76: {  	_ =	shalt  }
0x77: {  	_ =	shalt  }
0x78: {  	_ =	shalt  }
0x79: {  	_ =	shalt  }
0x7a: {  	_ =	shalt  }
0x7b: {  	_ =	shalt  }
0x7c: {  	_ =	shalt  }
0x7d: {  	_ =	shalt  }
0x7e: {  	_ =	shalt  }
0x7f: {  	_ =	shalt  }
0x80: {  	_ =	shalt  }
0x81: {  	_ =	shalt  }
0x82: {  	_ =	shalt  }
0x83: {  	_ =	shalt  }
0x84: {  	_ =	shalt  }
0x85: {  	_ =	shalt  }
0x86: {  	_ =	shalt  }
0x87: {  	_ =	shalt  }
.Lfunc_end0:
.L_simem_size_0:
called_computation.2_lowered:
.L_overlay_start_0:
0x88: {  	s2 =	sld [smem:$0x3FD9]  }
0x89: {  	s3 =	sld [smem:$0x3FFE];
	_ =	sdelay $0x1  }
0x8a: {  	s1 =	srdreg.scid  }
0x8b: {  	s0 =	sand.u32 $0x1, s1  }
0x8c: {  	s17 =	sshll.u32 s0, $0xA;
	s2 =	sadd.s32 s3, s2  }
0x8d: {  	s2 =	sadd.s32 s2, s17  }
0x8e: {  	[smem:$0x3FC4] =	sst s2  }
0x8f: {  	_ = 	snop  }
0x90: {  	s2 =	sld [smem:$0x3FC9]  }
0x91: {  	s18 =	sld [smem:$0x3FD0];
	(tm) =	ssettm $0x1  }
0x92: {  	s4 =	sld [smem:$0x3FFB];
	_ =	sdelay $0x3  }
0x93: {  	_ =	strace s4  }
0x94: {  	s4 =	sld [smem:$0x3FFC];
	_ =	sdelay $0x3  }
0x95: {  	_ =	strace s4  }
0x96: {  	s4 =	sld [smem:$0x3FFD];
	_ =	sdelay $0x3  }
0x97: {  	_ =	strace s4  }
0x98: {  	_ =	strace $0x8FFFFFFF  }
0x99: {  	s19 =	sld [smem:$0x3FDB];
	_ =	sdelay $0x1  }
0x9a: {  	s5 =	simm.s32 $_scs_section_size  }
0x9b: {  	s6 =	simm.s32 $_size__tile_overlayer_lowered;
	s7 =	simm.s32 $_tile_overlayer_lowered  }
0x9c: {  	s22 =	simm.s32 $0x1BFF;
	s21 =	sshll.u32 s7, $0x1;
	s4 =	sadd.s32 s5, s19  }
0x9d: {  	s8 =	simm.s32 $0x0;
	s20 =	sshll.u32 s6, $0x1;
	s6 =	sadd.s32 s21, s4  }
0x9e: {  	[timem:s8], [sflag:s22] =	dma.local [hbm:s6], s20  }
0x9f: {  	_ =	swait.ge [sflag:s22], s20  }
0xa0: {  	s5 =	ssub.s32 $0x0, s20;
	[sflag:s22] =	ssyncset.done $0x0  }
0xa1: {  	[sflag:s22] =	ssyncadd.s32 s5;
	_ =	sdelay $0x1  }
0xa2: {  	s23 =	simm.s32 $0x1B8B  }
0xa3: {  	_ =	swait.ge [sflag:s23], $0x1  }
0xa4: {  	[sflag:s23] =	ssyncset.done $0x0  }
0xa5: {  	s25 =	simm.s32 $0x1B8E;
	s24 =	sld [smem:$0x3FFE];
	[sflag:s23] =	ssyncadd.s32 $0xFFFFFFFF  }
0xa6: {  	s26 =	simm.s32 $execute0_lowered;
	[smem:$0x3FD2] =	sst s25  }
0xa7: {  	s6 =	sshll.u32 s26, $0x1;
	_ =	strace $0x80000049;
	[dreg:$0x1] =	wrdreg $0xFFFFFFFF  }
0xa8: {  	s28 =	simm.s32 $_size_execute0_lowered;
	s4 =	sadd.s32 s4, s6;
	[dreg:$0x0] =	wrdreg $0x0  }
0xa9: {  	s6 =	sshll.u32 s28, $0x1;
	[dreg:$0x2] =	wrdreg s4  }
0xaa: {  	[dreg:$0x3] =	wrdreg s6  }
0xab: {  	[dreg:$0x4] =	wrdreg $0xC0  }
0xac: {  	_ =	task [dreg:s8], $0x5FFFF  }
0xad: {  	[dreg:$0x1] =	wrdreg $0xFFFFFFFF  }
0xae: {  	[dreg:$0x0] =	wrdreg $0x60  }
0xaf: {  	[dreg:$0x2] =	wrdreg s18  }
0xb0: {  	[dreg:$0x3] =	wrdreg s2  }
0xb1: {  	[dreg:$0x4] =	wrdreg s24  }
0xb2: {  	[dreg:$0x5] =	wrdreg $0x9  }
0xb3: {  	_ =	task.clear_ibuf [dreg:s8], $0x6FFFF;
	_ =	strace $0x90000049  }
0xb4: {  	s29 =	simm.s32 $0x9;
	_ =	strace $0x8000004B  }
0xb5: {  	_ =	swait.ge [sflag:s29], $0x1  }
0xb6: {  	[sflag:s29] =	ssyncadd.s32 $0xFFFFFFFF  }
0xb7: {  	_ =	strace $0x9000004B  }
0xb8: {  	_ =	sfence  }
0xb9: {  	s30 =	sld [smem:$0x0];
	_ =	sdelay $0x2  }
0xba: {  	s31 =	sshll.u32 s1, $0xD;
	s1 =	sshrl.u32 s1, $0x2  }
0xbb: {  	s3 =	sand.u32 $0x4000, s31;
	s1 =	sadd.s32 s1, s30  }
0xbc: {  	s0 =	sor.u32 s3, s0;
	s1 =	sshll.u32 s1, $0x11  }
0xbd: {  	s0 =	sor.u32 s1, s0  }
0xbe: {  	s0 =	sadd.s32 $0x8F2B, s0  }
0xbf: {  	[sflag:s0] =	ssyncadd.remote.s32 $0x1  }
0xc0: {  	_ =	sfence.sel $0xFFFF  }
0xc1: {  	[dreg:$0x0] =	wrdreg $0xFFFFFFFF;
	(pc) =	sbr.abs _section_cstart, $3  }
0xc2: {  	[dreg:$0x1] =	wrdreg $0xFFFFFFFF  }
0xc3: {  	_ =	task.clear_ibuf [dreg:s8], $0x2FFFF;
	_ =	strace $0x9FFFFFFF  }
0xc4: {  	(tm) =	ssettm $0x7FFFFFFF  }
0xc5: {  	_ =	shalt  }
tec
execute0_lowered:
.L_overlay_start_1:
0x0: {  	(tag) =	ssettag $0x1  }
0x1: {  	s6 =	srdreg.scid;
	s1 =	stileid.u32  }
0x2: {  	s6 =	sand.u32 $0x1, s6;
	s7 =	sshll.u32 s1, $0x1  }
0x3: {  	s2 =	rddreg [dreg:$0x0];
	s7 =	sor.u32 s6, s7;
	s6 =	ssub.s32 $0x2, s6  }
0x4: {  	s4 =	rddreg [dreg:$0x1];
	s9 =	sshrl.u32 s6, $0x1  }
0x5: {  	s5 =	rddreg [dreg:$0x2];
	s6 =	ssub.s32 s6, s9  }
0x6: {  	s0 =	rddreg [dreg:$0x3];
	s3 =	simm.s32 $0x0;
	s11 =	smax.u32 s6, $0x1  }
0x7: {  	[smem:$0x7FF] =	sst s3;
	p0 =	sne.s32 s11, $0x1  }
.Ltmp0:
0x8: {  	s30 =	sshrl.u32 s1, $0x1;
	_ =	strace $0x8000004A;
	(pc) =	sbr.rel @!p0 .LBB2_2-.Ltmp0, $4  }
0x9: {  	s31 =	smul.u32 $0x186A0, s30;
	s8 =	sshll.u32 s7, $0xA;
	s7 =	sshll.u32 s7, $0x5  }
0xa: {  	s5 =	sadd.s32 s8, s5;
	s10 =	sadd.s32 s4, s7;
	s9 =	simm.s32 $0x2  }
0xb: {  	s7 =	simm.s32 $0x1100;
	s4 =	simm.s32 $0x1;
	s8 =	sadd.s32 $0x1400, s5  }
0xc: {  	v0 =	vmov s31;
	s5 =	simm.s32 $0x100;
	s6 =	simm.s32 $0x80;
	s11 =	sadd.s32 $0xFFFFFFFF, s11  }
.LBB2_1:
0xd: {  	[tilespmem:s3], [sflag:$0x2] =	stream.linear.gather [hbm4b:s10+s3], $0x100, $0x38;
	[tilespmem:$0x2100] =	vst v63  }
0xe: {  	p0 =	sne.s32 s11, $0x1;
	s11 =	sadd.s32 $0xFFFFFFFF, s11;
	_ =	swait.ge [sflag:s9], $0x100  }
0xf: {  	[sflag:s9] =	ssyncset.done $0x0  }
0x10: {  	[sflag:s9] =	ssyncadd.s32 $0xFFFFFF00  }
0x11: {  	[tilespmem:s5], [sflag:$0x2] =	stream.linear.gather [hbm4b:s8+s3], $0x2000, $0x38;
	[tilespmem:$0x2100] =	vst v63  }
0x12: {  	_ =	swait.ge [sflag:s9], $0x2000  }
0x13: {  	[sflag:s9] =	ssyncset.done $0x0  }
0x14: {  	[sflag:s9] =	ssyncadd.s32 $0xFFFFE000  }
0x15: {  	v1 =	vld [tilespmem:$0x90]  }
0x16: {  	v2 =	vld [tilespmem:$0x80]  }
0x17: {  	v3 =	vld [tilespmem:$0xA0]  }
0x18: {  	v4 =	vld [tilespmem:$0x0]  }
0x19: {  	v5 =	vld [tilespmem:$0x10]  }
0x1a: {  	v6 =	vld [tilespmem:$0x20]  }
0x1b: {  	v2 =	vadd.s32 v0, v2;
	v7 =	vld [tilespmem:$0xC0]  }
0x1c: {  	v1 =	vadd.s32 v0, v1;
	v8 =	vld [tilespmem:$0x70];
	[tilespmem:$0x80] =	vst v2;
	v2 =	vadd.s32 v0, v3  }
0x1d: {  	v3 =	vadd.s32 v0, v4;
	[tilespmem:$0xA0] =	vst v2;
	v2 =	vld [tilespmem:$0xE0]  }
0x1e: {  	[tilespmem:$0x0] =	vst v3;
	v3 =	vadd.s32 v0, v5;
	v4 =	vld [tilespmem:$0xD0]  }
0x1f: {  	v5 =	vadd.s32 v0, v6;
	[tilespmem:$0x90] =	vst v1;
	v1 =	vld [tilespmem:$0xF0]  }
0x20: {  	[tilespmem:$0x10] =	vst v3;
	v3 =	vld [tilespmem:$0x40];
	v6 =	vadd.s32 v0, v7  }
0x21: {  	[tilespmem:$0x20] =	vst v5;
	v5 =	vld [tilespmem:$0x30];
	v7 =	vadd.s32 v0, v8  }
0x22: {  	v8 =	vld [tilespmem:$0x50];
	[tilespmem:$0xC0] =	vst v6;
	v2 =	vadd.s32 v0, v2  }
0x23: {  	[tilespmem:$0x70] =	vst v7;
	v6 =	vld [tilespmem:$0xB0];
	v4 =	vadd.s32 v0, v4  }
0x24: {  	v7 =	vld [tilespmem:$0x60];
	[tilespmem:$0xE0] =	vst v2;
	v1 =	vadd.s32 v0, v1  }
0x25: {  	v2 =	vadd.s32 v0, v3;
	[tilespmem:$0xD0] =	vst v4  }
0x26: {  	v3 =	vadd.s32 v0, v5;
	[tilespmem:$0xF0] =	vst v1  }
0x27: {  	[tilespmem:$0x40] =	vst v2;
	v1 =	vadd.s32 v0, v8  }
0x28: {  	[tilespmem:$0x30] =	vst v3;
	v2 =	vadd.s32 v0, v6  }
0x29: {  	[tilespmem:$0x50] =	vst v1;
	v1 =	vadd.s32 v0, v7  }
0x2a: {  	[tilespmem:$0xB0] =	vst v2  }
0x2b: {  	[tilespmem:$0x60] =	vst v1  }
0x2c: {  	[hbm4b:s2+s6] =	stream.indirect.scatter [tilespmem:s5], [sflag:$0x1], $0x20, s3, s6, $0xb8;
	[tilespmem:$0x2100] =	vst v63  }
0x2d: {  	_ = 	snop  }
0x2e: {  	[hbm4b:s2+s6] =	stream.indirect.scatter [tilespmem:s7], [sflag:$0x1], $0x20, s6, s6, $0xb8;
	[tilespmem:$0x2100] =	vst v63  }
0x2f: {  	_ =	swait.ge [sflag:s4], $0x1000  }
.Ltmp1:
0x30: {  	[sflag:s4] =	ssyncset.done $0x0;
	(pc) =	sbr.rel @p0 .LBB2_1-.Ltmp1, $4  }
0x31: {  	[sflag:s4] =	ssyncadd.s32 $0xFFFFF000  }
0x32: {  	_ =	swait.ge [sflag:s4], $0x1000  }
0x33: {  	[sflag:s4] =	ssyncset.done $0x0  }
0x34: {  	[sflag:s4] =	ssyncadd.s32 $0xFFFFF000  }
.LBB2_2:
0x35: {  	[tilespmem:s3], [sflag:$0x2] =	stream.linear.gather [hbm4b:s10+s3], $0x100, $0x38;
	[tilespmem:$0x2100] =	vst v63  }
0x36: {  	_ =	swait.ge [sflag:s9], $0x100  }
0x37: {  	[sflag:s9] =	ssyncset.done $0x0  }
0x38: {  	[sflag:s9] =	ssyncadd.s32 $0xFFFFFF00  }
0x39: {  	[tilespmem:s5], [sflag:$0x2] =	stream.linear.gather [hbm4b:s8+s3], $0x2000, $0x38;
	[tilespmem:$0x2100] =	vst v63  }
0x3a: {  	_ =	swait.ge [sflag:s9], $0x2000  }
0x3b: {  	[sflag:s9] =	ssyncset.done $0x0  }
0x3c: {  	[sflag:s9] =	ssyncadd.s32 $0xFFFFE000  }
0x3d: {  	v1 =	vld [tilespmem:$0x80]  }
0x3e: {  	v2 =	vld [tilespmem:$0xA0]  }
0x3f: {  	v3 =	vld [tilespmem:$0x0]  }
0x40: {  	v4 =	vld [tilespmem:$0x90]  }
0x41: {  	v5 =	vld [tilespmem:$0x10]  }
0x42: {  	v6 =	vld [tilespmem:$0x20];
	v1 =	vadd.s32 v0, v1  }
0x43: {  	v7 =	vld [tilespmem:$0xC0];
	v48 =	vadd.s32 v0, v2;
	[tilespmem:$0x80] =	vst v1  }
0x44: {  	v49 =	vld [tilespmem:$0x70];
	v3 =	vadd.s32 v0, v3;
	[tilespmem:$0xA0] =	vst v48  }
0x45: {  	v51 =	vld [tilespmem:$0xE0];
	v50 =	vadd.s32 v0, v4;
	[tilespmem:$0x0] =	vst v3  }
0x46: {  	v53 =	vld [tilespmem:$0xD0];
	v52 =	vadd.s32 v0, v5;
	[tilespmem:$0x90] =	vst v50  }
0x47: {  	v55 =	vld [tilespmem:$0xF0];
	v54 =	vadd.s32 v0, v6;
	[tilespmem:$0x10] =	vst v52  }
0x48: {  	v58 =	vld [tilespmem:$0x50];
	v7 =	vadd.s32 v0, v7;
	[tilespmem:$0x20] =	vst v54  }
0x49: {  	v59 =	vld [tilespmem:$0xB0];
	v2 =	vadd.s32 v0, v49;
	[tilespmem:$0xC0] =	vst v7  }
0x4a: {  	v60 =	vld [tilespmem:$0x60];
	v4 =	vadd.s32 v0, v51;
	[tilespmem:$0x70] =	vst v2  }
0x4b: {  	v56 =	vld [tilespmem:$0x40];
	v5 =	vadd.s32 v0, v53;
	[tilespmem:$0xE0] =	vst v4  }
0x4c: {  	v57 =	vld [tilespmem:$0x30];
	v6 =	vadd.s32 v0, v55;
	[tilespmem:$0xD0] =	vst v5  }
0x4d: {  	v61 =	vadd.s32 v0, v58;
	[tilespmem:$0xF0] =	vst v6  }
0x4e: {  	v62 =	vadd.s32 v0, v59;
	[tilespmem:$0x50] =	vst v61  }
0x4f: {  	v63 =	vadd.s32 v0, v60;
	[tilespmem:$0xB0] =	vst v62  }
0x50: {  	v3 =	vadd.s32 v0, v56;
	[tilespmem:$0x60] =	vst v63  }
0x51: {  	v1 =	vadd.s32 v0, v57;
	[tilespmem:$0x40] =	vst v3  }
0x52: {  	[tilespmem:$0x30] =	vst v1  }
0x53: {  	[hbm4b:s2+s6] =	stream.indirect.scatter [tilespmem:s5], [sflag:$0x1], $0x20, s3, s6, $0xb8;
	[tilespmem:$0x2100] =	vst v63  }
0x54: {  	_ = 	snop  }
0x55: {  	[hbm4b:s2+s6] =	stream.indirect.scatter [tilespmem:s7], [sflag:$0x1], $0x20, s6, s6, $0xb8;
	[tilespmem:$0x2100] =	vst v63  }
0x56: {  	_ =	swait.ge [sflag:s4], $0x1000  }
0x57: {  	[sflag:s4] =	ssyncset.done $0x0  }
0x58: {  	[sflag:s4] =	ssyncadd.s32 $0xFFFFF000  }
0x59: {  	_ =	swait.ge [sflag:s4], $0x1000  }
0x5a: {  	[sflag:s4] =	ssyncset.done $0x0  }
0x5b: {  	[sflag:s4] =	ssyncadd.s32 $0xFFFFF000  }
0x5c: {  	_ =	sfence.sel $0x180000  }
0x5d: {  	[bflag:$0x0] =	sbarrier.arrive $0xFFFF  }
0x5e: {  	p0 =	sne.s32 s1, $0x0;
	_ =	strace $0x9000004A  }
0x5f: {  	s0 =	sadd.s32 @!p0 $0x100000, s0;
	[bflag:$0x2] =	sbarrier.arrive $0xFFFF  }
0x60: {  	[sflag:s0] =	ssyncadd.tile.s32 @!p0 $0x1;
	_ =	shalt  }
.Lfunc_end2:
_tile_overlayer_lowered:
.L_overlay_start_2:
0x61: {  	(tag) =	ssettag $0x2  }
0x62: {  	s0 =	rddreg [dreg:$0x0];
	s2 =	stileid.u32  }
0x63: {  	s1 =	rddreg [dreg:$0x1];
	p0 =	sne.s32 s2, $0x0  }
0x64: {  	s3 =	rddreg [dreg:$0x2];
	[bflag:$0x3] =	sbarrier.arrive $0xFFFF;
	s2 =	simm.s32 @!p0 $0x1C02  }
0x65: {  	[timem:s3], [sflag:s2] =	dma.local @!p0 [hbm:s0], s1  }
0x66: {  	s0 =	simm.s32 @!p0 $0x2  }
0x67: {  	_ =	swait.ge @!p0 [sflag:s0], s1  }
0x68: {  	s1 =	ssub.s32 @!p0 $0x0, s1;
	[sflag:s0] =	ssyncset.done @!p0 $0x0  }
0x69: {  	[sflag:s0] =	ssyncadd.s32 @!p0 s1  }
0x6a: {  	[bflag:$0x3] =	sbarrier.arrive $0xFFFF  }
0x6b: {  	_ =	shalt  }

// kernel: sparse-core-data-format-call.cloned.1.call-start
scs
called_computation_lowered:
.L_overlay_start_0:
0x0: {  	s2 =	sld [smem:$0x3FD9]  }
0x1: {  	s3 =	sld [smem:$0x3FFE];
	_ =	sdelay $0x1  }
0x2: {  	s1 =	srdreg.scid  }
0x3: {  	s0 =	sand.u32 $0x1, s1  }
0x4: {  	s18 =	sshll.u32 s0, $0xA;
	s2 =	sadd.s32 s3, s2  }
0x5: {  	s2 =	sadd.s32 s2, s18  }
0x6: {  	[smem:$0x3FC4] =	sst s2  }
0x7: {  	_ = 	snop  }
0x8: {  	s2 =	sld [smem:$0x3FD0];
	(tm) =	ssettm $0x1  }
0x9: {  	s19 =	sld [smem:$0x3FFB];
	_ =	sdelay $0x3  }
0xa: {  	_ =	strace s19  }
0xb: {  	s3 =	sld [smem:$0x3FFC];
	_ =	sdelay $0x3  }
0xc: {  	_ =	strace s3  }
0xd: {  	s3 =	sld [smem:$0x3FFD];
	_ =	sdelay $0x3  }
0xe: {  	_ =	strace s3  }
0xf: {  	_ =	strace $0x8FFFFFFF  }
0x10: {  	s20 =	sld [smem:$0x3FDB];
	_ =	sdelay $0x1  }
0x11: {  	s4 =	simm.s32 $_scs_section_size  }
0x12: {  	s5 =	simm.s32 $_size__tile_overlayer_lowered;
	s6 =	simm.s32 $_tile_overlayer_lowered  }
0x13: {  	s23 =	simm.s32 $0x1BFF;
	s22 =	sshll.u32 s6, $0x1;
	s3 =	sadd.s32 s4, s20  }
0x14: {  	s7 =	simm.s32 $0x0;
	s21 =	sshll.u32 s5, $0x1;
	s5 =	sadd.s32 s22, s3  }
0x15: {  	[timem:s7], [sflag:s23] =	dma.local [hbm:s5], s21  }
0x16: {  	_ =	swait.ge [sflag:s23], s21  }
0x17: {  	s4 =	ssub.s32 $0x0, s21;
	[sflag:s23] =	ssyncset.done $0x0  }
0x18: {  	[sflag:s23] =	ssyncadd.s32 s4;
	_ =	sdelay $0x1  }
0x19: {  	s24 =	simm.s32 $0x1B8B  }
0x1a: {  	_ =	swait.ge [sflag:s24], $0x1  }
0x1b: {  	[sflag:s24] =	ssyncset.done $0x0  }
0x1c: {  	s26 =	simm.s32 $0x1B8E;
	s25 =	sld [smem:$0x3FFE];
	[sflag:s24] =	ssyncadd.s32 $0xFFFFFFFF  }
0x1d: {  	s27 =	simm.s32 $execute0_lowered;
	[smem:$0x3FD2] =	sst s26  }
0x1e: {  	s5 =	sshll.u32 s27, $0x1;
	_ =	strace $0x8000004C;
	[dreg:$0x1] =	wrdreg $0xFFFFFFFF  }
0x1f: {  	s28 =	simm.s32 $_size_execute0_lowered;
	s3 =	sadd.s32 s3, s5;
	[dreg:$0x0] =	wrdreg $0x0  }
0x20: {  	s5 =	sshll.u32 s28, $0x1;
	[dreg:$0x2] =	wrdreg s3  }
0x21: {  	[dreg:$0x3] =	wrdreg s5  }
0x22: {  	[dreg:$0x4] =	wrdreg $0xC0  }
0x23: {  	_ =	task [dreg:s7], $0x5FFFF  }
0x24: {  	[dreg:$0x1] =	wrdreg $0xFFFFFFFF  }
0x25: {  	[dreg:$0x0] =	wrdreg $0x60  }
0x26: {  	[dreg:$0x2] =	wrdreg s25  }
0x27: {  	[dreg:$0x3] =	wrdreg s2  }
0x28: {  	[dreg:$0x4] =	wrdreg $0x9  }
0x29: {  	_ =	task.clear_ibuf [dreg:s7], $0x5FFFF;
	_ =	strace $0x9000004C  }
0x2a: {  	s29 =	simm.s32 $0x9;
	_ =	strace $0x8000004E  }
0x2b: {  	_ =	swait.ge [sflag:s29], $0x1  }
0x2c: {  	[sflag:s29] =	ssyncadd.s32 $0xFFFFFFFF  }
0x2d: {  	_ =	strace $0x9000004E  }
0x2e: {  	_ =	sfence  }
0x2f: {  	s30 =	sld [smem:$0x0];
	_ =	sdelay $0x2  }
0x30: {  	s31 =	sshll.u32 s1, $0xD;
	s1 =	sshrl.u32 s1, $0x2  }
0x31: {  	s3 =	sand.u32 $0x4000, s31;
	s1 =	sadd.s32 s1, s30  }
0x32: {  	s0 =	sor.u32 s3, s0;
	s1 =	sshll.u32 s1, $0x11  }
0x33: {  	s0 =	sor.u32 s1, s0  }
0x34: {  	s0 =	sadd.s32 $0x8F2B, s0  }
0x35: {  	[sflag:s0] =	ssyncadd.remote.s32 $0x1  }
0x36: {  	_ =	sfence.sel $0xFFFF  }
0x37: {  	[dreg:$0x0] =	wrdreg $0xFFFFFFFF;
	(pc) =	sbr.abs _section_cstart, $3  }
0x38: {  	[dreg:$0x1] =	wrdreg $0xFFFFFFFF  }
0x39: {  	_ =	task.clear_ibuf [dreg:s7], $0x2FFFF;
	_ =	strace $0x9FFFFFFF  }
0x3a: {  	(tm) =	ssettm $0x7FFFFFFF  }
0x3b: {  	_ =	shalt  }
tec
execute0_lowered:
.L_overlay_start_1:
0x0: {  	(tag) =	ssettag $0x1  }
0x1: {  	s3 =	rddreg [dreg:$0x0]  }
0x2: {  	s2 =	rddreg [dreg:$0x1];
	s1 =	stileid.u32  }
0x3: {  	s4 =	srdreg.scid;
	s0 =	rddreg [dreg:$0x2];
	_ =	strace $0x8000004D  }
0x4: {  	s7 =	simm.s32 $0x2;
	s14 =	simm.s32 $0x0;
	p0 =	por $0x0, $0x0  }
0x5: {  	s9 =	simm.s32 $0xC3800;
	s5 =	sshll.u32 s1, $0x4;
	s4 =	sshll.u32 s4, $0x8  }
.Ltmp0:
0x6: {  	s13 =	simm.s32 $0x0;
	s4 =	sor.u32 s5, s4;
	(pc) =	sbr.rel .LBB1_1-.Ltmp0, $4  }
0x7: {  	s12 =	simm.s32 $0x0;
	s5 =	simm.s32 $0x1;
	s4 =	sand.u32 $0x180, s4  }
0x8: {  	s3 =	sadd.s32 $0x1400, s3;
	[sflag:s5] =	ssyncpa.u1 $0x0;
	s8 =	ssub.s32 $0x18680, s4  }
0x9: {  	s6 =	sand.u32 $0x7, s1;
	[sflag:s7] =	ssyncpa.u1 $0x0;
	s7 =	sshrl.u32 s8, $0x9  }
0xa: {  	s11 =	smov.u32 s6;
	s10 =	smov.u32 s4;
	s8 =	sadd.s32 $0x2, s7  }
.LBB1_5:
0xb: {  	s15 =	sadd.s32 $0x200, s10  }
0xc: {  	s13 =	sadd.s32 $0x8, s11;
	s17 =	smov.u32 s11;
	p2 =	sgt.s32 s15, $0x1869F  }
0xd: {  	s17 =	smov.u32 @p2 s13  }
0xe: {  	s15 =	smov.u32 @p2 s4;
	p2 =	sgt.s32 s17, $0x7  }
0xf: {  	s17 =	smov.u32 @p2 s6;
	p2 =	sne.s32 s12, s8  }
.Ltmp1:
0x10: {  	p1 =	slt.u32 s12, $0x2;
	(pc) =	sbr.rel @!p2 .LBB1_6-.Ltmp1, $4  }
0x11: {  	s16 =	simm.s32 @!p1 $0x2  }
0x12: {  	s14 =	smov.u32 s10;
	p0 =	por !p0, !p0;
	_ =	swait.ge @!p1 [sflag:s16], $0x1000  }
0x13: {  	s13 =	smov.u32 s11;
	[sflag:s16] =	ssyncset.done @!p1 $0x0;
	s10 =	smov.u32 s15  }
0x14: {  	s12 =	sadd.s32 $0x1, s12;
	[sflag:s16] =	ssyncadd.s32 @!p1 $0xFFFFF000;
	s11 =	smov.u32 s17  }
.LBB1_1:
0x15: {  	p1 =	sgt.u32 s12, s7  }
0x16: {  	s17 =	smov.u32 s11;
	s19 =	smov.u32 s10;
	p2 =	sgt.s32 @!p1 s11, $0x7  }
0x17: {  	s15 =	sand.u32 @!p1 $0x1FFFFFF, s10;
	s18 =	sshra.s32 @!p1 s11, $0x1F;
	p2 =	por !p2, p1  }
0x18: {  	s20 =	sshra.s32 @!p1 s10, $0x1F;
	s17 =	simm.s32 @p2 $0x7;
	p2 =	sgt.s32 @!p1 s10, $0x18620  }
0x19: {  	s16 =	smulhi.u32 @!p1 $0x14F8B59, s15;
	s18 =	sand.u32 @!p1 s18, s11;
	p2 =	por !p2, p1  }
0x1a: {  	s17 =	ssub.s32 @!p1 s17, s18;
	s18 =	sand.u32 @!p1 s20, s10;
	s19 =	simm.s32 @p2 $0x18620  }
0x1b: {  	s17 =	sadd.s32 @!p1 $0xFFFFFFF9, s17;
	s18 =	ssub.s32 @!p1 s19, s18  }
0x1c: {  	s16 =	sshrl.u32 @!p1 s16, $0x9;
	p2 =	sgt.s32 @!p1 s17, $0x0;
	s19 =	sadd.s32 @!p1 $0xFFFE79E0, s18  }
0x1d: {  	s17 =	sshll.u32 @!p1 s17, $0x5;
	s18 =	ssub.s32 @!p1 $0x186A0, s18;
	p3 =	sgt.s32 @!p1 s19, $0x7F  }
0x1e: {  	s17 =	ssub.s32 @!p1 $0x20, s17;
	p2 =	por !p2, p1;
	p3 =	por !p3, p1  }
0x1f: {  	s16 =	smul.u32 @!p1 $0x186A0, s16;
	s17 =	simm.s32 @!p2 $0x0;
	s18 =	simm.s32 @!p3 $0x0  }
0x20: {  	s19 =	sxor.u32 @!p1 $0xFFFFFFFF, s12;
	s17 =	smul.u32 @!p1 s18, s17  }
0x21: {  	s15 =	ssub.s32 @!p1 s15, s16;
	s18 =	sshll.u32 @!p1 s19, $0xC;
	s19 =	smul.u32 @!p1 $0x186A00, s11  }
0x22: {  	s15 =	sshll.u32 @!p1 s15, $0x4  }
0x23: {  	s18 =	sand.u32 @!p1 $0x1000, s18;
	s16 =	sand.u32 @!p1 $0x3FFFFFE0, s17;
	s17 =	sadd.s32 @!p1 s3, s19  }
0x24: {  	s19 =	simm.s32 @!p1 $0x80;
	s15 =	sadd.s32 @!p1 s15, s17;
	s17 =	simm.s32 @!p1 $0x20  }
0x25: {  	[tilespmem:s18], [sflag:$0x1] =	stream.strided.gather @!p1 [hbm4b:s15+s17], s16, s19, s17, $0x38;
	[tilespmem:$0x4040] =	vst v63  }
0x26: {  	p1 =	seq.s32 s12, $0x0  }
0x27: {  	p2 =	sge.u32 @!p1 s12, s8  }
0x28: {  	p1 =	por p1, p2  }
.Ltmp2:
0x29: {  	_ = 	snop;
	(pc) =	sbr.rel @p1 .LBB1_5-.Ltmp2, $1  }
0x2a: {  	_ =	sdelay $0x3  }
0x2b: {  	p1 =	sgt.s32 s13, $0x7;
	s15 =	smov.u32 s13  }
0x2c: {  	s16 =	sshra.s32 s13, $0x1F;
	s17 =	smov.u32 s14;
	s18 =	sshra.s32 s14, $0x1F  }
0x2d: {  	s15 =	simm.s32 @!p1 $0x7;
	s16 =	sand.u32 s16, s13;
	p1 =	sgt.s32 s14, $0x18620  }
0x2e: {  	s27 =	sand.u32 s18, s14;
	s15 =	ssub.s32 s15, s16;
	s17 =	simm.s32 @!p1 $0x18620  }
0x2f: {  	s15 =	sadd.s32 $0xFFFFFFF9, s15;
	s16 =	ssub.s32 s17, s27  }
0x30: {  	p1 =	sgt.s32 s15, $0x0;
	s17 =	sadd.s32 $0xFFFE79E0, s16;
	s15 =	sshll.u32 s15, $0x5  }
0x31: {  	s16 =	ssub.s32 $0x186A0, s16;
	p2 =	sgt.s32 s17, $0x7F;
	s15 =	ssub.s32 $0x20, s15  }
0x32: {  	s16 =	simm.s32 @p2 $0x0;
	s15 =	simm.s32 @p1 $0x0  }
0x33: {  	s15 =	smul.u32 s16, s15;
	_ =	sdelay $0x1  }
0x34: {  	s16 =	simm.s32 $0x1;
	s15 =	sand.u32 $0x3FFFFFE0, s15  }
0x35: {  	s16 =	simm.s32 @!p0 $0x0;
	_ =	swait.ge [sflag:s5], s15  }
0x36: {  	s28 =	sshll.u32 s16, $0xC;
	s15 =	ssub.s32 $0x0, s15;
	[sflag:s5] =	ssyncset.done $0x0  }
0x37: {  	s19 =	sor.u32 $0x10, s28;
	[sflag:s5] =	ssyncadd.s32 s15  }
0x38: {  	s29 =	smul.u32 $0x4080, s16;
	v1 =	vld [tilespmem:s19+$0x0]  }
0x39: {  	s30 =	sand.u32 $0x1, s12;
	v0 =	vld [tilespmem:s19+$0xFFFFFFF0]  }
0x3a: {  	s16 =	smul.u32 $0x4080, s30;
	s15 =	sshrl.u32 s29, $0x2  }
0x3b: {  	s17 =	sor.u32 $0x2000, s15  }
0x3c: {  	s31 =	sshrl.u32 s16, $0x2;
	s16 =	sadd.s32 $0x0, s17  }
0x3d: {  	s18 =	simm.s32 $0x4;
	s15 =	sor.u32 $0x2000, s31;
	s19 =	sadd.s32 $0x20, s19;
	[tilespmem:s16+$0x810 ss:$0x81] =	vst.msk $0xffff, v1  }
.LBB1_3:
0x3e: {  	v1 =	vld [tilespmem:s19+$0x0];
	p1 =	sne.s32 s18, $0x1FC;
	[tilespmem:s16+$0x0 ss:$0x81] =	vst.msk $0xffff, v0;
	s16 =	smov.u32 s18;
	s18 =	sadd.s32 $0x4, s18  }
.Ltmp3:
0x3f: {  	v0 =	vld [tilespmem:s19+$0xFFFFFFF0];
	(pc) =	sbr.rel @p1 .LBB1_3-.Ltmp3, $4  }
0x40: {  	_ = 	snop  }
0x41: {  	s16 =	sshra.s32 s16, $0x2  }
0x42: {  	s16 =	sadd.s32 s16, s17  }
0x43: {  	s19 =	sadd.s32 $0x20, s19;
	[tilespmem:s16+$0x810 ss:$0x81] =	vst.msk $0xffff, v1  }
0x44: {  	s17 =	sshll.u32 s14, $0x3  }
0x45: {  	s29 =	sand.u32 $0x7F, s14;
	s17 =	sand.u32 $0xFFFFFC00, s17  }
0x46: {  	s14 =	sor.u32 s29, s17;
	s17 =	smulhi.u32 $0xA79C7B17, s17  }
0x47: {  	s18 =	smulhi.u32 $0xA79C7B17, s14;
	_ =	sdelay $0x1  }
0x48: {  	s13 =	smul.u32 $0x61C00, s13;
	s17 =	sshrl.u32 s17, $0x10;
	s18 =	sshrl.u32 s18, $0x10  }
0x49: {  	s17 =	sand.u32 $0x1F, s17;
	s18 =	smul.u32 $0x18700, s18  }
0x4a: {  	s17 =	smul.u32 $0x30E0, s17  }
.Ltmp4:
0x4b: {  	s14 =	ssub.s32 s14, s18;
	(pc) =	sbr.rel .LBB1_5-.Ltmp4, $4  }
0x4c: {  	s13 =	sadd.s32 s2, s13;
	s18 =	sand.u32 $0x7, s14  }
0x4d: {  	s13 =	sadd.s32 s17, s13;
	s14 =	sshrl.u32 s14, $0x3;
	s30 =	sshll.u32 s18, $0x12  }
0x4e: {  	[tilespmem:s16+$0x0 ss:$0x81] =	vst.msk $0xffff, v0;
	s13 =	sadd.s32 s14, s13;
	s31 =	sor.u32 $0x400, s30  }
0x4f: {  	[hbm4b:s13+s31] =	stream.strided.scatter [tilespmem:s15], [sflag:$0x2], $0x1000, s9, s31, $0x20;
	[tilespmem:$0x4040] =	vst v63  }
.LBB1_6:
0x50: {  	_ =	sfence.sel $0x180000  }
0x51: {  	s2 =	simm.s32 $0x1;
	[bflag:$0x0] =	sbarrier.arrive $0xFFFF  }
0x52: {  	s31 =	simm.s32 $0x2;
	[sflag:s2] =	ssyncpa.u1 $0x1  }
0x53: {  	[sflag:s31] =	ssyncpa.u1 $0x1  }
0x54: {  	p0 =	sne.s32 s1, $0x0;
	_ =	strace $0x9000004D  }
0x55: {  	s0 =	sadd.s32 @!p0 $0x100000, s0;
	[bflag:$0x2] =	sbarrier.arrive $0xFFFF  }
0x56: {  	[sflag:s0] =	ssyncadd.tile.s32 @!p0 $0x1;
	_ =	shalt  }
.Lfunc_end1:
_tile_overlayer_lowered:
.L_overlay_start_2:
0x57: {  	(tag) =	ssettag $0x2  }
0x58: {  	s0 =	rddreg [dreg:$0x0];
	s2 =	stileid.u32  }
0x59: {  	s1 =	rddreg [dreg:$0x1];
	p0 =	sne.s32 s2, $0x0  }
0x5a: {  	s3 =	rddreg [dreg:$0x2];
	[bflag:$0x3] =	sbarrier.arrive $0xFFFF;
	s2 =	simm.s32 @!p0 $0x1C01  }
0x5b: {  	[timem:s3], [sflag:s2] =	dma.local @!p0 [hbm:s0], s1  }
0x5c: {  	s0 =	simm.s32 @!p0 $0x1  }
0x5d: {  	_ =	swait.ge @!p0 [sflag:s0], s1  }
0x5e: {  	s1 =	ssub.s32 @!p0 $0x0, s1;
	[sflag:s0] =	ssyncset.done @!p0 $0x0  }
0x5f: {  	[sflag:s0] =	ssyncadd.s32 @!p0 s1  }
0x60: {  	[bflag:$0x3] =	sbarrier.arrive $0xFFFF  }
0x61: {  	_ =	shalt  }

</sc_bundles>
